<compile_context>
chip_gen: v7x
topology: tpu7x:2x2x1
jax: 0.10.2.dev20260603
libtpu: 0.0.44.dev20260713+nightly
codegen_flags: <defaults>
</compile_context>

<pallas_src>
import functools

import jax
import jax.numpy as jnp
from jax import lax
from jax.experimental import pallas as pl
from jax.experimental.pallas import tpu as pltpu
from jax.experimental.pallas import tpu_sc as plsc

NFEATS = 26
NMEM = 200
KOUT = 8
BATCH = 4096

NW = 32
ROWS_PER_W = BATCH // NW
RCHUNK = 8
NCHUNKS = ROWS_PER_W // RCHUNK
ROWLEN = NFEATS * NMEM
OUTLEN = NFEATS * KOUT
JUNROLL = 8

SORT8 = ((0, 1), (2, 3), (4, 5), (6, 7),
         (0, 2), (1, 3), (4, 6), (5, 7),
         (1, 2), (5, 6),
         (0, 4), (1, 5), (2, 6), (3, 7),
         (2, 4), (3, 5),
         (1, 2), (3, 4), (5, 6))
BITONIC8 = ((0, 4), (1, 5), (2, 6), (3, 7),
            (0, 2), (1, 3), (4, 6), (5, 7),
            (0, 1), (2, 3), (4, 5), (6, 7))


def _topk_body(x_hbm, a_hbm, b_hbm, out_hbm,
               av, bv, xb0, xb1, ob, sem0, sem1, sem_out):
    nc = 2
    wid = lax.axis_index("s") * nc + lax.axis_index("c")
    row0 = wid * ROWS_PER_W

    pltpu.sync_copy(a_hbm, av)
    pltpu.sync_copy(b_hbm, bv)

    lane = lax.iota(jnp.int32, 16)
    lane8 = lane * KOUT
    neginf = jnp.full((16,), -jnp.inf, jnp.float32)

    def in_copy(c, buf, sem):
        rowbase = row0 + c * RCHUNK
        return pltpu.make_async_copy(
            x_hbm.at[pl.ds(rowbase, RCHUNK)], buf, sem)

    def compute_slab(xb, c):
        rowbase = row0 + c * RCHUNK

        def row_body(r, carry):
            rowvec = jnp.full((16,), 0, jnp.int32) + r
            for f0 in (0, 13):
                af = av[pl.ds(f0, 16)]
                bf = bv[pl.ds(f0, 16)]
                sflip = jnp.where(af < 0, -1.0, 1.0).astype(jnp.float32)
                absa = af * sflip

                def jo_body(jo, carry_in):
                    colv, regs = carry_in
                    f = []
                    for k in range(JUNROLL):
                        ck = colv + k * NFEATS
                        if f0 != 0:
                            ck = jnp.minimum(ck, ROWLEN - 1)
                        f.append(sflip * plsc.load_gather(xb, [rowvec, ck]))
                    for (i, j) in SORT8:
                        lo = jnp.minimum(f[i], f[j])
                        f[j] = jnp.maximum(f[i], f[j])
                        f[i] = lo
                    h = [jnp.maximum(regs[d], f[d]) for d in range(KOUT)]
                    for (i, j) in BITONIC8:
                        hi = jnp.maximum(h[i], h[j])
                        h[j] = jnp.minimum(h[i], h[j])
                        h[i] = hi
                    return (colv + JUNROLL * NFEATS, tuple(h))

                _, regs = lax.fori_loop(
                    0, NMEM // JUNROLL, jo_body,
                    (lane + f0, (neginf,) * KOUT))

                mask = None if f0 == 0 else (lane < (NFEATS - 13))
                for d in range(KOUT):
                    v = absa * regs[d] + bf
                    plsc.store_scatter(ob, [rowvec, lane8 + (f0 * KOUT + d)],
                                       v, mask=mask)
            return carry

        lax.fori_loop(0, RCHUNK, row_body, 0)
        pltpu.async_copy(ob, out_hbm.at[pl.ds(rowbase, RCHUNK)],
                         sem_out).wait()

    in_copy(0, xb0, sem0).start()

    def pair_body(g, carry):
        c0 = 2 * g
        in_copy(c0 + 1, xb1, sem1).start()
        in_copy(c0, xb0, sem0).wait()
        compute_slab(xb0, c0)

        @pl.when(g < NCHUNKS // 2 - 1)
        def _():
            in_copy(c0 + 2, xb0, sem0).start()

        in_copy(c0 + 1, xb1, sem1).wait()
        compute_slab(xb1, c0 + 1)
        return carry

    lax.fori_loop(0, NCHUNKS // 2, pair_body, 0)


@jax.jit
def _sc_topk(x, a32, b32):
    mesh = plsc.VectorSubcoreMesh(core_axis_name="c", subcore_axis_name="s")
    f = functools.partial(
        pl.kernel,
        out_type=jax.ShapeDtypeStruct((BATCH, OUTLEN), jnp.float32),
        mesh=mesh,
        scratch_types=[
            pltpu.VMEM((32,), jnp.float32),
            pltpu.VMEM((32,), jnp.float32),
            pltpu.VMEM((RCHUNK, ROWLEN), jnp.float32),
            pltpu.VMEM((RCHUNK, ROWLEN), jnp.float32),
            pltpu.VMEM((RCHUNK, OUTLEN), jnp.float32),
            pltpu.SemaphoreType.DMA,
            pltpu.SemaphoreType.DMA,
            pltpu.SemaphoreType.DMA,
        ],
        compiler_params=pltpu.CompilerParams(needs_layout_passes=False),
    )(_topk_body)
    return f(x, a32, b32)


def kernel(x, alpha, beta):
    a32 = jnp.pad(alpha, (0, 32 - NFEATS))
    b32 = jnp.pad(beta, (0, 32 - NFEATS))
    return _sc_topk(x, a32, b32)

# --- scband reference (transcript-rebuilt; emitter-appended) ---
"""Pipeline reference for scband-my-layer2-67456756351357 (READ-ONLY COPY).

The authoritative reference and input builder live on the scoring server;
editing this copy changes nothing except your own understanding.
"""

import jax, jax.numpy as jnp
import numpy as np

NFEATS = 26
NMEM = 200
KOUT = 8
BATCH = 4096


def setup_inputs(seed: int = 0) -> dict:
    key = jax.random.key(seed)
    k1, k2, k3 = jax.random.split(key, 3)
    x = jax.random.normal(k1, (BATCH, NFEATS * NMEM), dtype=jnp.float32)
    alpha = jax.random.normal(k2, (NFEATS,), dtype=jnp.float32) * 0.05
    beta = jax.random.normal(k3, (NFEATS,), dtype=jnp.float32) * 0.05
    return {"x": x, "alpha": alpha, "beta": beta}


def reference(x, alpha, beta):
    # Faithful translation of myLayer2.call:
    # for each feature i, take strided slice x[:, i::NFEATS] (shape [B, NMEM]),
    # matmul with identity (as in the original), scale+shift by alpha[i]/beta[i],
    # sort descending along last axis and keep top KOUT values; concat across features.
    eye = jnp.eye(NMEM, dtype=x.dtype)
    res = []
    for i in range(NFEATS):
        sl = x[:, i::NFEATS]
        v = alpha[i] * jnp.matmul(sl, eye) + beta[i]
        v_sorted = -jnp.sort(-v, axis=-1)  # descending sort
        res.append(v_sorted[:, :KOUT])
    return jnp.concatenate(res, axis=-1)

if __name__ == "__main__":
    import jax
    _d = setup_inputs()
    print(jax.jit(kernel)(*tuple(_d.values())))

</pallas_src>

<mosaic_0001>
#map = affine_map<(d0, d1) -> (0, 0)>
#map1 = affine_map<(d0, d1) -> (0)>
module attributes {stable_mosaic.version = 14 : i64} {
  func.func @_topk_body(%arg0: i32, %arg1: i32, %arg2: memref<4096x5200xf32, #tpu.memory_space<hbm>>, %arg3: memref<32xf32, #tpu.memory_space<hbm>>, %arg4: memref<32xf32, #tpu.memory_space<hbm>>, %arg5: memref<4096x208xf32, #tpu.memory_space<hbm>>, %arg6: memref<32xf32, #tpu.memory_space<vmem>>, %arg7: memref<32xf32, #tpu.memory_space<vmem>>, %arg8: memref<8x5200xf32, #tpu.memory_space<vmem>>, %arg9: memref<8x5200xf32, #tpu.memory_space<vmem>>, %arg10: memref<8x208xf32, #tpu.memory_space<vmem>>, %arg11: memref<!tpu.dma_semaphore, #tpu.memory_space<semaphore_mem>>, %arg12: memref<!tpu.dma_semaphore, #tpu.memory_space<semaphore_mem>>, %arg13: memref<!tpu.dma_semaphore, #tpu.memory_space<semaphore_mem>>) attributes {dimension_semantics = [#tpu.dimension_semantics<core_parallel>, #tpu.dimension_semantics<subcore_parallel>], iteration_bounds = array<i64: 2, 16>, scalar_prefetch = 0 : i64, scratch_operands = 8 : i64, tpu.core_type = #tpu.core_type<sc_vector_subcore>, window_params = [{transform_indices = #map}, {transform_indices = #map1}, {transform_indices = #map1}, {transform_indices = #map}]} {
    %mul3A = arith.constant 2 : i32
    %mul3A_0 = arith.muli %arg1, %mul3A : i32
    %add3A = arith.addi %mul3A_0, %arg0 : i32
    %mul3A_1 = arith.constant 128 : i32
    %mul3A_2 = arith.muli %add3A, %mul3A_1 : i32
    "tpu.region"() ({
      %run_scoped3A = tpu.sem_alloc : memref<!tpu.dma_semaphore, #tpu.memory_space<semaphore_mem>>
      tpu.enqueue_dma source(%arg3 : memref<32xf32, #tpu.memory_space<hbm>>) target(%arg6 : memref<32xf32, #tpu.memory_space<vmem>>) target_semaphore(%run_scoped3A : memref<!tpu.dma_semaphore, #tpu.memory_space<semaphore_mem>>)
      tpu.wait_dma2 semaphore(%run_scoped3A : memref<!tpu.dma_semaphore, #tpu.memory_space<semaphore_mem>>) src(%arg3 : memref<32xf32, #tpu.memory_space<hbm>>) dst(%arg6 : memref<32xf32, #tpu.memory_space<vmem>>)
      tpu.yield
    }) : () -> ()
    "tpu.region"() ({
      %run_scoped3A = tpu.sem_alloc : memref<!tpu.dma_semaphore, #tpu.memory_space<semaphore_mem>>
      tpu.enqueue_dma source(%arg4 : memref<32xf32, #tpu.memory_space<hbm>>) target(%arg7 : memref<32xf32, #tpu.memory_space<vmem>>) target_semaphore(%run_scoped3A : memref<!tpu.dma_semaphore, #tpu.memory_space<semaphore_mem>>)
      tpu.wait_dma2 semaphore(%run_scoped3A : memref<!tpu.dma_semaphore, #tpu.memory_space<semaphore_mem>>) src(%arg4 : memref<32xf32, #tpu.memory_space<hbm>>) dst(%arg7 : memref<32xf32, #tpu.memory_space<vmem>>)
      tpu.yield
    }) : () -> ()
    %iota3A = tpu.iota {dimensions = array<i32: 0>} : vector<16xi32>
    %mul3A_3 = arith.constant 8 : i32
    %mul3A_4 = vector.broadcast %mul3A_3 : i32 to vector<16xi32>
    %mul3A_5 = arith.muli %iota3A, %mul3A_4 : vector<16xi32>
    %broadcast_in_dim3A = arith.constant 0xFF800000 : f32
    %broadcast_in_dim3A_6 = vector.broadcast %broadcast_in_dim3A : f32 to vector<16xf32>
    %add3A_7 = arith.constant 0 : i32
    %add3A_8 = arith.addi %mul3A_2, %add3A_7 : i32
    %dma_start3A = arith.constant 0 : i32
    %dma_start3A_9 = tpu.memref_slice %arg2[%add3A_8, %dma_start3A] : memref<4096x5200xf32, #tpu.memory_space<hbm>> -> memref<8x5200xf32, #tpu.memory_space<hbm>>
    %dma_start3A_10 = arith.constant 0 : i32
    %dma_start3A_11 = tpu.memref_slice %arg2[%add3A_8, %dma_start3A_10] : memref<4096x5200xf32, #tpu.memory_space<hbm>> -> memref<8x5200xf32, #tpu.memory_space<hbm>>
    tpu.enqueue_dma source(%dma_start3A_11 : memref<8x5200xf32, #tpu.memory_space<hbm>>) target(%arg8 : memref<8x5200xf32, #tpu.memory_space<vmem>>) target_semaphore(%arg11 : memref<!tpu.dma_semaphore, #tpu.memory_space<semaphore_mem>>)
    %scan3A = arith.constant 0 : i32
    %scan3A_12 = arith.constant 0 : i32
    %scan3A_13 = arith.constant 8 : i32
    %scan3A_14 = arith.addi %scan3A_12, %scan3A_13 : i32
    %scan3A_15 = arith.constant 1 : i32
    scf.for %scan3A_17 = %scan3A_12 to %scan3A_14 step %scan3A_15  : i32 {
      %mul3A_18 = arith.constant 2 : i32
      %mul3A_19 = arith.muli %mul3A_18, %scan3A_17 : i32
      %add3A_20 = arith.constant 1 : i32
      %add3A_21 = arith.addi %mul3A_19, %add3A_20 : i32
      %mul3A_22 = arith.constant 8 : i32
      %mul3A_23 = arith.muli %add3A_21, %mul3A_22 : i32
      %add3A_24 = arith.addi %mul3A_2, %mul3A_23 : i32
      %dma_start3A_25 = arith.constant 0 : i32
      %dma_start3A_26 = tpu.memref_slice %arg2[%add3A_24, %dma_start3A_25] : memref<4096x5200xf32, #tpu.memory_space<hbm>> -> memref<8x5200xf32, #tpu.memory_space<hbm>>
      %dma_start3A_27 = arith.constant 0 : i32
      %dma_start3A_28 = tpu.memref_slice %arg2[%add3A_24, %dma_start3A_27] : memref<4096x5200xf32, #tpu.memory_space<hbm>> -> memref<8x5200xf32, #tpu.memory_space<hbm>>
      tpu.enqueue_dma source(%dma_start3A_28 : memref<8x5200xf32, #tpu.memory_space<hbm>>) target(%arg9 : memref<8x5200xf32, #tpu.memory_space<vmem>>) target_semaphore(%arg12 : memref<!tpu.dma_semaphore, #tpu.memory_space<semaphore_mem>>)
      %mul3A_29 = arith.constant 8 : i32
      %mul3A_30 = arith.muli %mul3A_19, %mul3A_29 : i32
      %add3A_31 = arith.addi %mul3A_2, %mul3A_30 : i32
      %dma_wait3A = arith.constant 0 : i32
      %dma_wait3A_32 = tpu.memref_slice %arg2[%add3A_31, %dma_wait3A] : memref<4096x5200xf32, #tpu.memory_space<hbm>> -> memref<8x5200xf32, #tpu.memory_space<hbm>>
      %dma_wait3A_33 = arith.constant 0 : i32
      %dma_wait3A_34 = tpu.memref_slice %arg2[%add3A_31, %dma_wait3A_33] : memref<4096x5200xf32, #tpu.memory_space<hbm>> -> memref<8x5200xf32, #tpu.memory_space<hbm>>
      tpu.wait_dma2 semaphore(%arg11 : memref<!tpu.dma_semaphore, #tpu.memory_space<semaphore_mem>>) src(%dma_wait3A_34 : memref<8x5200xf32, #tpu.memory_space<hbm>>) dst(%arg8 : memref<8x5200xf32, #tpu.memory_space<vmem>>)
      %mul3A_35 = arith.constant 8 : i32
      %mul3A_36 = arith.muli %mul3A_19, %mul3A_35 : i32
      %add3A_37 = arith.addi %mul3A_2, %mul3A_36 : i32
      %scan3A_38 = arith.constant 0 : i32
      %scan3A_39 = arith.constant 0 : i32
      %scan3A_40 = arith.constant 8 : i32
      %scan3A_41 = arith.addi %scan3A_39, %scan3A_40 : i32
      %scan3A_42 = arith.constant 1 : i32
      scf.for %scan3A_82 = %scan3A_39 to %scan3A_41 step %scan3A_42  : i32 {
        %broadcast_in_dim3A_83 = arith.constant 0 : i32
        %broadcast_in_dim3A_84 = vector.broadcast %broadcast_in_dim3A_83 : i32 to vector<16xi32>
        %add3A_85 = vector.broadcast %scan3A_82 : i32 to vector<16xi32>
        %add3A_86 = arith.addi %broadcast_in_dim3A_84, %add3A_85 : vector<16xi32>
        %get3A = arith.constant 0 : index
        %get3A_87 = tpu.vector_load %arg6[%get3A] {strides = array<i32>} : memref<32xf32, #tpu.memory_space<vmem>>, vector<16xf32>,
        %get3A_88 = arith.constant 0 : index
        %get3A_89 = tpu.vector_load %arg7[%get3A_88] {strides = array<i32>} : memref<32xf32, #tpu.memory_space<vmem>>, vector<16xf32>,
        %lt3A_90 = arith.constant 0.000000e+00 : f32
        %lt3A_91 = vector.broadcast %lt3A_90 : f32 to vector<16xf32>
        %lt3A_92 = arith.cmpf olt, %get3A_87, %lt3A_91 : vector<16xf32>
        %jit3A = arith.constant -1.000000e+00 : f32
        %jit3A_93 = arith.constant 1.000000e+00 : f32
        %broadcast_in_dim3A_94 = vector.broadcast %jit3A : f32 to vector<16xf32>
        %broadcast_in_dim3A_95 = vector.broadcast %jit3A_93 : f32 to vector<16xf32>
        %select_n3A = arith.select %lt3A_92, %broadcast_in_dim3A_94, %broadcast_in_dim3A_95 : vector<16xi1>, vector<16xf32>
        %mul3A_96 = arith.mulf %get3A_87, %select_n3A : vector<16xf32>
        %add3A_97 = arith.constant 0 : i32
        %add3A_98 = vector.broadcast %add3A_97 : i32 to vector<16xi32>
        %add3A_99 = arith.addi %iota3A, %add3A_98 : vector<16xi32>
        %scan3A_100 = arith.constant 0 : i32
        %scan3A_101 = arith.constant 25 : i32
        %scan3A_102 = arith.addi %scan3A_100, %scan3A_101 : i32
        %scan3A_103 = arith.constant 1 : i32
        %scan3A_104:9 = scf.for %scan3A_211 = %scan3A_100 to %scan3A_102 step %scan3A_103 iter_args(%scan3A_212 = %add3A_99, %scan3A_213 = %broadcast_in_dim3A_6, %scan3A_214 = %broadcast_in_dim3A_6, %scan3A_215 = %broadcast_in_dim3A_6, %scan3A_216 = %broadcast_in_dim3A_6, %scan3A_217 = %broadcast_in_dim3A_6, %scan3A_218 = %broadcast_in_dim3A_6, %scan3A_219 = %broadcast_in_dim3A_6, %scan3A_220 = %broadcast_in_dim3A_6) -> (vector<16xi32>, vector<16xf32>, vector<16xf32>, vector<16xf32>, vector<16xf32>, vector<16xf32>, vector<16xf32>, vector<16xf32>, vector<16xf32>)  : i32 {
          %add3A_221 = arith.constant 0 : i32
          %add3A_222 = vector.broadcast %add3A_221 : i32 to vector<16xi32>
          %add3A_223 = arith.addi %scan3A_212, %add3A_222 : vector<16xi32>
          %gather3A = tpu.vector_load_idx %arg8[%add3A_86, %add3A_223] : memref<8x5200xf32, #tpu.memory_space<vmem>>[vector<16xi32>, vector<16xi32>], vector<16xf32>,
          %mul3A_224 = arith.mulf %select_n3A, %gather3A : vector<16xf32>
          %add3A_225 = arith.constant 26 : i32
          %add3A_226 = vector.broadcast %add3A_225 : i32 to vector<16xi32>
          %add3A_227 = arith.addi %scan3A_212, %add3A_226 : vector<16xi32>
          %gather3A_228 = tpu.vector_load_idx %arg8[%add3A_86, %add3A_227] : memref<8x5200xf32, #tpu.memory_space<vmem>>[vector<16xi32>, vector<16xi32>], vector<16xf32>,
          %mul3A_229 = arith.mulf %select_n3A, %gather3A_228 : vector<16xf32>
          %add3A_230 = arith.constant 52 : i32
          %add3A_231 = vector.broadcast %add3A_230 : i32 to vector<16xi32>
          %add3A_232 = arith.addi %scan3A_212, %add3A_231 : vector<16xi32>
          %gather3A_233 = tpu.vector_load_idx %arg8[%add3A_86, %add3A_232] : memref<8x5200xf32, #tpu.memory_space<vmem>>[vector<16xi32>, vector<16xi32>], vector<16xf32>,
          %mul3A_234 = arith.mulf %select_n3A, %gather3A_233 : vector<16xf32>
          %add3A_235 = arith.constant 78 : i32
          %add3A_236 = vector.broadcast %add3A_235 : i32 to vector<16xi32>
          %add3A_237 = arith.addi %scan3A_212, %add3A_236 : vector<16xi32>
          %gather3A_238 = tpu.vector_load_idx %arg8[%add3A_86, %add3A_237] : memref<8x5200xf32, #tpu.memory_space<vmem>>[vector<16xi32>, vector<16xi32>], vector<16xf32>,
          %mul3A_239 = arith.mulf %select_n3A, %gather3A_238 : vector<16xf32>
          %add3A_240 = arith.constant 104 : i32
          %add3A_241 = vector.broadcast %add3A_240 : i32 to vector<16xi32>
          %add3A_242 = arith.addi %scan3A_212, %add3A_241 : vector<16xi32>
          %gather3A_243 = tpu.vector_load_idx %arg8[%add3A_86, %add3A_242] : memref<8x5200xf32, #tpu.memory_space<vmem>>[vector<16xi32>, vector<16xi32>], vector<16xf32>,
          %mul3A_244 = arith.mulf %select_n3A, %gather3A_243 : vector<16xf32>
          %add3A_245 = arith.constant 130 : i32
          %add3A_246 = vector.broadcast %add3A_245 : i32 to vector<16xi32>
          %add3A_247 = arith.addi %scan3A_212, %add3A_246 : vector<16xi32>
          %gather3A_248 = tpu.vector_load_idx %arg8[%add3A_86, %add3A_247] : memref<8x5200xf32, #tpu.memory_space<vmem>>[vector<16xi32>, vector<16xi32>], vector<16xf32>,
          %mul3A_249 = arith.mulf %select_n3A, %gather3A_248 : vector<16xf32>
          %add3A_250 = arith.constant 156 : i32
          %add3A_251 = vector.broadcast %add3A_250 : i32 to vector<16xi32>
          %add3A_252 = arith.addi %scan3A_212, %add3A_251 : vector<16xi32>
          %gather3A_253 = tpu.vector_load_idx %arg8[%add3A_86, %add3A_252] : memref<8x5200xf32, #tpu.memory_space<vmem>>[vector<16xi32>, vector<16xi32>], vector<16xf32>,
          %mul3A_254 = arith.mulf %select_n3A, %gather3A_253 : vector<16xf32>
          %add3A_255 = arith.constant 182 : i32
          %add3A_256 = vector.broadcast %add3A_255 : i32 to vector<16xi32>
          %add3A_257 = arith.addi %scan3A_212, %add3A_256 : vector<16xi32>
          %gather3A_258 = tpu.vector_load_idx %arg8[%add3A_86, %add3A_257] : memref<8x5200xf32, #tpu.memory_space<vmem>>[vector<16xi32>, vector<16xi32>], vector<16xf32>,
          %mul3A_259 = arith.mulf %select_n3A, %gather3A_258 : vector<16xf32>
          %min3A = arith.minimumf %mul3A_224, %mul3A_229 : vector<16xf32>
          %max3A = arith.maximumf %mul3A_224, %mul3A_229 : vector<16xf32>
          %min3A_260 = arith.minimumf %mul3A_234, %mul3A_239 : vector<16xf32>
          %max3A_261 = arith.maximumf %mul3A_234, %mul3A_239 : vector<16xf32>
          %min3A_262 = arith.minimumf %mul3A_244, %mul3A_249 : vector<16xf32>
          %max3A_263 = arith.maximumf %mul3A_244, %mul3A_249 : vector<16xf32>
          %min3A_264 = arith.minimumf %mul3A_254, %mul3A_259 : vector<16xf32>
          %max3A_265 = arith.maximumf %mul3A_254, %mul3A_259 : vector<16xf32>
          %min3A_266 = arith.minimumf %min3A, %min3A_260 : vector<16xf32>
          %max3A_267 = arith.maximumf %min3A, %min3A_260 : vector<16xf32>
          %min3A_268 = arith.minimumf %max3A, %max3A_261 : vector<16xf32>
          %max3A_269 = arith.maximumf %max3A, %max3A_261 : vector<16xf32>
          %min3A_270 = arith.minimumf %min3A_262, %min3A_264 : vector<16xf32>
          %max3A_271 = arith.maximumf %min3A_262, %min3A_264 : vector<16xf32>
          %min3A_272 = arith.minimumf %max3A_263, %max3A_265 : vector<16xf32>
          %max3A_273 = arith.maximumf %max3A_263, %max3A_265 : vector<16xf32>
          %min3A_274 = arith.minimumf %min3A_268, %max3A_267 : vector<16xf32>
          %max3A_275 = arith.maximumf %min3A_268, %max3A_267 : vector<16xf32>
          %min3A_276 = arith.minimumf %min3A_272, %max3A_271 : vector<16xf32>
          %max3A_277 = arith.maximumf %min3A_272, %max3A_271 : vector<16xf32>
          %min3A_278 = arith.minimumf %min3A_266, %min3A_270 : vector<16xf32>
          %max3A_279 = arith.maximumf %min3A_266, %min3A_270 : vector<16xf32>
          %min3A_280 = arith.minimumf %min3A_274, %min3A_276 : vector<16xf32>
          %max3A_281 = arith.maximumf %min3A_274, %min3A_276 : vector<16xf32>
          %min3A_282 = arith.minimumf %max3A_275, %max3A_277 : vector<16xf32>
          %max3A_283 = arith.maximumf %max3A_275, %max3A_277 : vector<16xf32>
          %min3A_284 = arith.minimumf %max3A_269, %max3A_273 : vector<16xf32>
          %max3A_285 = arith.maximumf %max3A_269, %max3A_273 : vector<16xf32>
          %min3A_286 = arith.minimumf %min3A_282, %max3A_279 : vector<16xf32>
          %max3A_287 = arith.maximumf %min3A_282, %max3A_279 : vector<16xf32>
          %min3A_288 = arith.minimumf %min3A_284, %max3A_281 : vector<16xf32>
          %max3A_289 = arith.maximumf %min3A_284, %max3A_281 : vector<16xf32>
          %min3A_290 = arith.minimumf %min3A_280, %min3A_286 : vector<16xf32>
          %max3A_291 = arith.maximumf %min3A_280, %min3A_286 : vector<16xf32>
          %min3A_292 = arith.minimumf %min3A_288, %max3A_287 : vector<16xf32>
          %max3A_293 = arith.maximumf %min3A_288, %max3A_287 : vector<16xf32>
          %min3A_294 = arith.minimumf %max3A_289, %max3A_283 : vector<16xf32>
          %max3A_295 = arith.maximumf %max3A_289, %max3A_283 : vector<16xf32>
          %max3A_296 = arith.maximumf %scan3A_213, %min3A_278 : vector<16xf32>
          %max3A_297 = arith.maximumf %scan3A_214, %min3A_290 : vector<16xf32>
          %max3A_298 = arith.maximumf %scan3A_215, %max3A_291 : vector<16xf32>
          %max3A_299 = arith.maximumf %scan3A_216, %min3A_292 : vector<16xf32>
          %max3A_300 = arith.maximumf %scan3A_217, %max3A_293 : vector<16xf32>
          %max3A_301 = arith.maximumf %scan3A_218, %min3A_294 : vector<16xf32>
          %max3A_302 = arith.maximumf %scan3A_219, %max3A_295 : vector<16xf32>
          %max3A_303 = arith.maximumf %scan3A_220, %max3A_285 : vector<16xf32>
          %max3A_304 = arith.maximumf %max3A_296, %max3A_300 : vector<16xf32>
          %min3A_305 = arith.minimumf %max3A_296, %max3A_300 : vector<16xf32>
          %max3A_306 = arith.maximumf %max3A_297, %max3A_301 : vector<16xf32>
          %min3A_307 = arith.minimumf %max3A_297, %max3A_301 : vector<16xf32>
          %max3A_308 = arith.maximumf %max3A_298, %max3A_302 : vector<16xf32>
          %min3A_309 = arith.minimumf %max3A_298, %max3A_302 : vector<16xf32>
          %max3A_310 = arith.maximumf %max3A_299, %max3A_303 : vector<16xf32>
          %min3A_311 = arith.minimumf %max3A_299, %max3A_303 : vector<16xf32>
          %max3A_312 = arith.maximumf %max3A_304, %max3A_308 : vector<16xf32>
          %min3A_313 = arith.minimumf %max3A_304, %max3A_308 : vector<16xf32>
          %max3A_314 = arith.maximumf %max3A_306, %max3A_310 : vector<16xf32>
          %min3A_315 = arith.minimumf %max3A_306, %max3A_310 : vector<16xf32>
          %max3A_316 = arith.maximumf %min3A_305, %min3A_309 : vector<16xf32>
          %min3A_317 = arith.minimumf %min3A_305, %min3A_309 : vector<16xf32>
          %max3A_318 = arith.maximumf %min3A_307, %min3A_311 : vector<16xf32>
          %min3A_319 = arith.minimumf %min3A_307, %min3A_311 : vector<16xf32>
          %max3A_320 = arith.maximumf %max3A_312, %max3A_314 : vector<16xf32>
          %min3A_321 = arith.minimumf %max3A_312, %max3A_314 : vector<16xf32>
          %max3A_322 = arith.maximumf %min3A_313, %min3A_315 : vector<16xf32>
          %min3A_323 = arith.minimumf %min3A_313, %min3A_315 : vector<16xf32>
          %max3A_324 = arith.maximumf %max3A_316, %max3A_318 : vector<16xf32>
          %min3A_325 = arith.minimumf %max3A_316, %max3A_318 : vector<16xf32>
          %max3A_326 = arith.maximumf %min3A_317, %min3A_319 : vector<16xf32>
          %min3A_327 = arith.minimumf %min3A_317, %min3A_319 : vector<16xf32>
          %add3A_328 = arith.constant 208 : i32
          %add3A_329 = vector.broadcast %add3A_328 : i32 to vector<16xi32>
          %add3A_330 = arith.addi %scan3A_212, %add3A_329 : vector<16xi32>
          scf.yield %add3A_330, %max3A_320, %min3A_321, %max3A_322, %min3A_323, %max3A_324, %min3A_325, %max3A_326, %min3A_327 : vector<16xi32>, vector<16xf32>, vector<16xf32>, vector<16xf32>, vector<16xf32>, vector<16xf32>, vector<16xf32>, vector<16xf32>, vector<16xf32>
        }
        %scan3A_105 = arith.constant 25 : i32
        %mul3A_106 = arith.mulf %mul3A_96, %scan3A_104#1 : vector<16xf32>
        %add3A_107 = arith.addf %mul3A_106, %get3A_89 : vector<16xf32>
        %add3A_108 = arith.constant 0 : i32
        %add3A_109 = vector.broadcast %add3A_108 : i32 to vector<16xi32>
        %add3A_110 = arith.addi %mul3A_5, %add3A_109 : vector<16xi32>
        tpu.vector_store_idx %arg10[%add3A_86, %add3A_110], %add3A_107 : memref<8x208xf32, #tpu.memory_space<vmem>>[vector<16xi32>, vector<16xi32>], vector<16xf32>,
        %mul3A_111 = arith.mulf %mul3A_96, %scan3A_104#2 : vector<16xf32>
        %add3A_112 = arith.addf %mul3A_111, %get3A_89 : vector<16xf32>
        %add3A_113 = arith.constant 1 : i32
        %add3A_114 = vector.broadcast %add3A_113 : i32 to vector<16xi32>
        %add3A_115 = arith.addi %mul3A_5, %add3A_114 : vector<16xi32>
        tpu.vector_store_idx %arg10[%add3A_86, %add3A_115], %add3A_112 : memref<8x208xf32, #tpu.memory_space<vmem>>[vector<16xi32>, vector<16xi32>], vector<16xf32>,
        %mul3A_116 = arith.mulf %mul3A_96, %scan3A_104#3 : vector<16xf32>
        %add3A_117 = arith.addf %mul3A_116, %get3A_89 : vector<16xf32>
        %add3A_118 = arith.constant 2 : i32
        %add3A_119 = vector.broadcast %add3A_118 : i32 to vector<16xi32>
        %add3A_120 = arith.addi %mul3A_5, %add3A_119 : vector<16xi32>
        tpu.vector_store_idx %arg10[%add3A_86, %add3A_120], %add3A_117 : memref<8x208xf32, #tpu.memory_space<vmem>>[vector<16xi32>, vector<16xi32>], vector<16xf32>,
        %mul3A_121 = arith.mulf %mul3A_96, %scan3A_104#4 : vector<16xf32>
        %add3A_122 = arith.addf %mul3A_121, %get3A_89 : vector<16xf32>
        %add3A_123 = arith.constant 3 : i32
        %add3A_124 = vector.broadcast %add3A_123 : i32 to vector<16xi32>
        %add3A_125 = arith.addi %mul3A_5, %add3A_124 : vector<16xi32>
        tpu.vector_store_idx %arg10[%add3A_86, %add3A_125], %add3A_122 : memref<8x208xf32, #tpu.memory_space<vmem>>[vector<16xi32>, vector<16xi32>], vector<16xf32>,
        %mul3A_126 = arith.mulf %mul3A_96, %scan3A_104#5 : vector<16xf32>
        %add3A_127 = arith.addf %mul3A_126, %get3A_89 : vector<16xf32>
        %add3A_128 = arith.constant 4 : i32
        %add3A_129 = vector.broadcast %add3A_128 : i32 to vector<16xi32>
        %add3A_130 = arith.addi %mul3A_5, %add3A_129 : vector<16xi32>
        tpu.vector_store_idx %arg10[%add3A_86, %add3A_130], %add3A_127 : memref<8x208xf32, #tpu.memory_space<vmem>>[vector<16xi32>, vector<16xi32>], vector<16xf32>,
        %mul3A_131 = arith.mulf %mul3A_96, %scan3A_104#6 : vector<16xf32>
        %add3A_132 = arith.addf %mul3A_131, %get3A_89 : vector<16xf32>
        %add3A_133 = arith.constant 5 : i32
        %add3A_134 = vector.broadcast %add3A_133 : i32 to vector<16xi32>
        %add3A_135 = arith.addi %mul3A_5, %add3A_134 : vector<16xi32>
        tpu.vector_store_idx %arg10[%add3A_86, %add3A_135], %add3A_132 : memref<8x208xf32, #tpu.memory_space<vmem>>[vector<16xi32>, vector<16xi32>], vector<16xf32>,
        %mul3A_136 = arith.mulf %mul3A_96, %scan3A_104#7 : vector<16xf32>
        %add3A_137 = arith.addf %mul3A_136, %get3A_89 : vector<16xf32>
        %add3A_138 = arith.constant 6 : i32
        %add3A_139 = vector.broadcast %add3A_138 : i32 to vector<16xi32>
        %add3A_140 = arith.addi %mul3A_5, %add3A_139 : vector<16xi32>
        tpu.vector_store_idx %arg10[%add3A_86, %add3A_140], %add3A_137 : memref<8x208xf32, #tpu.memory_space<vmem>>[vector<16xi32>, vector<16xi32>], vector<16xf32>,
        %mul3A_141 = arith.mulf %mul3A_96, %scan3A_104#8 : vector<16xf32>
        %add3A_142 = arith.addf %mul3A_141, %get3A_89 : vector<16xf32>
        %add3A_143 = arith.constant 7 : i32
        %add3A_144 = vector.broadcast %add3A_143 : i32 to vector<16xi32>
        %add3A_145 = arith.addi %mul3A_5, %add3A_144 : vector<16xi32>
        tpu.vector_store_idx %arg10[%add3A_86, %add3A_145], %add3A_142 : memref<8x208xf32, #tpu.memory_space<vmem>>[vector<16xi32>, vector<16xi32>], vector<16xf32>,
        %get3A_146 = arith.constant 13 : index
        %get3A_147 = tpu.vector_load %arg6[%get3A_146] {strides = array<i32>} : memref<32xf32, #tpu.memory_space<vmem>>, vector<16xf32>,
        %get3A_148 = arith.constant 13 : index
        %get3A_149 = tpu.vector_load %arg7[%get3A_148] {strides = array<i32>} : memref<32xf32, #tpu.memory_space<vmem>>, vector<16xf32>,
        %lt3A_150 = arith.constant 0.000000e+00 : f32
        %lt3A_151 = vector.broadcast %lt3A_150 : f32 to vector<16xf32>
        %lt3A_152 = arith.cmpf olt, %get3A_147, %lt3A_151 : vector<16xf32>
        %jit3A_153 = arith.constant -1.000000e+00 : f32
        %jit3A_154 = arith.constant 1.000000e+00 : f32
        %broadcast_in_dim3A_155 = vector.broadcast %jit3A_153 : f32 to vector<16xf32>
        %broadcast_in_dim3A_156 = vector.broadcast %jit3A_154 : f32 to vector<16xf32>
        %select_n3A_157 = arith.select %lt3A_152, %broadcast_in_dim3A_155, %broadcast_in_dim3A_156 : vector<16xi1>, vector<16xf32>
        %mul3A_158 = arith.mulf %get3A_147, %select_n3A_157 : vector<16xf32>
        %add3A_159 = arith.constant 13 : i32
        %add3A_160 = vector.broadcast %add3A_159 : i32 to vector<16xi32>
        %add3A_161 = arith.addi %iota3A, %add3A_160 : vector<16xi32>
        %scan3A_162 = arith.constant 0 : i32
        %scan3A_163 = arith.constant 25 : i32
        %scan3A_164 = arith.addi %scan3A_162, %scan3A_163 : i32
        %scan3A_165 = arith.constant 1 : i32
        %scan3A_166:9 = scf.for %scan3A_211 = %scan3A_162 to %scan3A_164 step %scan3A_165 iter_args(%scan3A_212 = %add3A_161, %scan3A_213 = %broadcast_in_dim3A_6, %scan3A_214 = %broadcast_in_dim3A_6, %scan3A_215 = %broadcast_in_dim3A_6, %scan3A_216 = %broadcast_in_dim3A_6, %scan3A_217 = %broadcast_in_dim3A_6, %scan3A_218 = %broadcast_in_dim3A_6, %scan3A_219 = %broadcast_in_dim3A_6, %scan3A_220 = %broadcast_in_dim3A_6) -> (vector<16xi32>, vector<16xf32>, vector<16xf32>, vector<16xf32>, vector<16xf32>, vector<16xf32>, vector<16xf32>, vector<16xf32>, vector<16xf32>)  : i32 {
          %add3A_221 = arith.constant 0 : i32
          %add3A_222 = vector.broadcast %add3A_221 : i32 to vector<16xi32>
          %add3A_223 = arith.addi %scan3A_212, %add3A_222 : vector<16xi32>
          %min3A = arith.constant 5199 : i32
          %min3A_224 = vector.broadcast %min3A : i32 to vector<16xi32>
          %min3A_225 = arith.minsi %add3A_223, %min3A_224 : vector<16xi32>
          %gather3A = tpu.vector_load_idx %arg8[%add3A_86, %min3A_225] : memref<8x5200xf32, #tpu.memory_space<vmem>>[vector<16xi32>, vector<16xi32>], vector<16xf32>,
          %mul3A_226 = arith.mulf %select_n3A_157, %gather3A : vector<16xf32>
          %add3A_227 = arith.constant 26 : i32
          %add3A_228 = vector.broadcast %add3A_227 : i32 to vector<16xi32>
          %add3A_229 = arith.addi %scan3A_212, %add3A_228 : vector<16xi32>
          %min3A_230 = arith.constant 5199 : i32
          %min3A_231 = vector.broadcast %min3A_230 : i32 to vector<16xi32>
          %min3A_232 = arith.minsi %add3A_229, %min3A_231 : vector<16xi32>
          %gather3A_233 = tpu.vector_load_idx %arg8[%add3A_86, %min3A_232] : memref<8x5200xf32, #tpu.memory_space<vmem>>[vector<16xi32>, vector<16xi32>], vector<16xf32>,
          %mul3A_234 = arith.mulf %select_n3A_157, %gather3A_233 : vector<16xf32>
          %add3A_235 = arith.constant 52 : i32
          %add3A_236 = vector.broadcast %add3A_235 : i32 to vector<16xi32>
          %add3A_237 = arith.addi %scan3A_212, %add3A_236 : vector<16xi32>
          %min3A_238 = arith.constant 5199 : i32
          %min3A_239 = vector.broadcast %min3A_238 : i32 to vector<16xi32>
          %min3A_240 = arith.minsi %add3A_237, %min3A_239 : vector<16xi32>
          %gather3A_241 = tpu.vector_load_idx %arg8[%add3A_86, %min3A_240] : memref<8x5200xf32, #tpu.memory_space<vmem>>[vector<16xi32>, vector<16xi32>], vector<16xf32>,
          %mul3A_242 = arith.mulf %select_n3A_157, %gather3A_241 : vector<16xf32>
          %add3A_243 = arith.constant 78 : i32
          %add3A_244 = vector.broadcast %add3A_243 : i32 to vector<16xi32>
          %add3A_245 = arith.addi %scan3A_212, %add3A_244 : vector<16xi32>
          %min3A_246 = arith.constant 5199 : i32
          %min3A_247 = vector.broadcast %min3A_246 : i32 to vector<16xi32>
          %min3A_248 = arith.minsi %add3A_245, %min3A_247 : vector<16xi32>
          %gather3A_249 = tpu.vector_load_idx %arg8[%add3A_86, %min3A_248] : memref<8x5200xf32, #tpu.memory_space<vmem>>[vector<16xi32>, vector<16xi32>], vector<16xf32>,
          %mul3A_250 = arith.mulf %select_n3A_157, %gather3A_249 : vector<16xf32>
          %add3A_251 = arith.constant 104 : i32
          %add3A_252 = vector.broadcast %add3A_251 : i32 to vector<16xi32>
          %add3A_253 = arith.addi %scan3A_212, %add3A_252 : vector<16xi32>
          %min3A_254 = arith.constant 5199 : i32
          %min3A_255 = vector.broadcast %min3A_254 : i32 to vector<16xi32>
          %min3A_256 = arith.minsi %add3A_253, %min3A_255 : vector<16xi32>
          %gather3A_257 = tpu.vector_load_idx %arg8[%add3A_86, %min3A_256] : memref<8x5200xf32, #tpu.memory_space<vmem>>[vector<16xi32>, vector<16xi32>], vector<16xf32>,
          %mul3A_258 = arith.mulf %select_n3A_157, %gather3A_257 : vector<16xf32>
          %add3A_259 = arith.constant 130 : i32
          %add3A_260 = vector.broadcast %add3A_259 : i32 to vector<16xi32>
          %add3A_261 = arith.addi %scan3A_212, %add3A_260 : vector<16xi32>
          %min3A_262 = arith.constant 5199 : i32
          %min3A_263 = vector.broadcast %min3A_262 : i32 to vector<16xi32>
          %min3A_264 = arith.minsi %add3A_261, %min3A_263 : vector<16xi32>
          %gather3A_265 = tpu.vector_load_idx %arg8[%add3A_86, %min3A_264] : memref<8x5200xf32, #tpu.memory_space<vmem>>[vector<16xi32>, vector<16xi32>], vector<16xf32>,
          %mul3A_266 = arith.mulf %select_n3A_157, %gather3A_265 : vector<16xf32>
          %add3A_267 = arith.constant 156 : i32
          %add3A_268 = vector.broadcast %add3A_267 : i32 to vector<16xi32>
          %add3A_269 = arith.addi %scan3A_212, %add3A_268 : vector<16xi32>
          %min3A_270 = arith.constant 5199 : i32
          %min3A_271 = vector.broadcast %min3A_270 : i32 to vector<16xi32>
          %min3A_272 = arith.minsi %add3A_269, %min3A_271 : vector<16xi32>
          %gather3A_273 = tpu.vector_load_idx %arg8[%add3A_86, %min3A_272] : memref<8x5200xf32, #tpu.memory_space<vmem>>[vector<16xi32>, vector<16xi32>], vector<16xf32>,
          %mul3A_274 = arith.mulf %select_n3A_157, %gather3A_273 : vector<16xf32>
          %add3A_275 = arith.constant 182 : i32
          %add3A_276 = vector.broadcast %add3A_275 : i32 to vector<16xi32>
          %add3A_277 = arith.addi %scan3A_212, %add3A_276 : vector<16xi32>
          %min3A_278 = arith.constant 5199 : i32
          %min3A_279 = vector.broadcast %min3A_278 : i32 to vector<16xi32>
          %min3A_280 = arith.minsi %add3A_277, %min3A_279 : vector<16xi32>
          %gather3A_281 = tpu.vector_load_idx %arg8[%add3A_86, %min3A_280] : memref<8x5200xf32, #tpu.memory_space<vmem>>[vector<16xi32>, vector<16xi32>], vector<16xf32>,
          %mul3A_282 = arith.mulf %select_n3A_157, %gather3A_281 : vector<16xf32>
          %min3A_283 = arith.minimumf %mul3A_226, %mul3A_234 : vector<16xf32>
          %max3A = arith.maximumf %mul3A_226, %mul3A_234 : vector<16xf32>
          %min3A_284 = arith.minimumf %mul3A_242, %mul3A_250 : vector<16xf32>
          %max3A_285 = arith.maximumf %mul3A_242, %mul3A_250 : vector<16xf32>
          %min3A_286 = arith.minimumf %mul3A_258, %mul3A_266 : vector<16xf32>
          %max3A_287 = arith.maximumf %mul3A_258, %mul3A_266 : vector<16xf32>
          %min3A_288 = arith.minimumf %mul3A_274, %mul3A_282 : vector<16xf32>
          %max3A_289 = arith.maximumf %mul3A_274, %mul3A_282 : vector<16xf32>
          %min3A_290 = arith.minimumf %min3A_283, %min3A_284 : vector<16xf32>
          %max3A_291 = arith.maximumf %min3A_283, %min3A_284 : vector<16xf32>
          %min3A_292 = arith.minimumf %max3A, %max3A_285 : vector<16xf32>
          %max3A_293 = arith.maximumf %max3A, %max3A_285 : vector<16xf32>
          %min3A_294 = arith.minimumf %min3A_286, %min3A_288 : vector<16xf32>
          %max3A_295 = arith.maximumf %min3A_286, %min3A_288 : vector<16xf32>
          %min3A_296 = arith.minimumf %max3A_287, %max3A_289 : vector<16xf32>
          %max3A_297 = arith.maximumf %max3A_287, %max3A_289 : vector<16xf32>
          %min3A_298 = arith.minimumf %min3A_292, %max3A_291 : vector<16xf32>
          %max3A_299 = arith.maximumf %min3A_292, %max3A_291 : vector<16xf32>
          %min3A_300 = arith.minimumf %min3A_296, %max3A_295 : vector<16xf32>
          %max3A_301 = arith.maximumf %min3A_296, %max3A_295 : vector<16xf32>
          %min3A_302 = arith.minimumf %min3A_290, %min3A_294 : vector<16xf32>
          %max3A_303 = arith.maximumf %min3A_290, %min3A_294 : vector<16xf32>
          %min3A_304 = arith.minimumf %min3A_298, %min3A_300 : vector<16xf32>
          %max3A_305 = arith.maximumf %min3A_298, %min3A_300 : vector<16xf32>
          %min3A_306 = arith.minimumf %max3A_299, %max3A_301 : vector<16xf32>
          %max3A_307 = arith.maximumf %max3A_299, %max3A_301 : vector<16xf32>
          %min3A_308 = arith.minimumf %max3A_293, %max3A_297 : vector<16xf32>
          %max3A_309 = arith.maximumf %max3A_293, %max3A_297 : vector<16xf32>
          %min3A_310 = arith.minimumf %min3A_306, %max3A_303 : vector<16xf32>
          %max3A_311 = arith.maximumf %min3A_306, %max3A_303 : vector<16xf32>
          %min3A_312 = arith.minimumf %min3A_308, %max3A_305 : vector<16xf32>
          %max3A_313 = arith.maximumf %min3A_308, %max3A_305 : vector<16xf32>
          %min3A_314 = arith.minimumf %min3A_304, %min3A_310 : vector<16xf32>
          %max3A_315 = arith.maximumf %min3A_304, %min3A_310 : vector<16xf32>
          %min3A_316 = arith.minimumf %min3A_312, %max3A_311 : vector<16xf32>
          %max3A_317 = arith.maximumf %min3A_312, %max3A_311 : vector<16xf32>
          %min3A_318 = arith.minimumf %max3A_313, %max3A_307 : vector<16xf32>
          %max3A_319 = arith.maximumf %max3A_313, %max3A_307 : vector<16xf32>
          %max3A_320 = arith.maximumf %scan3A_213, %min3A_302 : vector<16xf32>
          %max3A_321 = arith.maximumf %scan3A_214, %min3A_314 : vector<16xf32>
          %max3A_322 = arith.maximumf %scan3A_215, %max3A_315 : vector<16xf32>
          %max3A_323 = arith.maximumf %scan3A_216, %min3A_316 : vector<16xf32>
          %max3A_324 = arith.maximumf %scan3A_217, %max3A_317 : vector<16xf32>
          %max3A_325 = arith.maximumf %scan3A_218, %min3A_318 : vector<16xf32>
          %max3A_326 = arith.maximumf %scan3A_219, %max3A_319 : vector<16xf32>
          %max3A_327 = arith.maximumf %scan3A_220, %max3A_309 : vector<16xf32>
          %max3A_328 = arith.maximumf %max3A_320, %max3A_324 : vector<16xf32>
          %min3A_329 = arith.minimumf %max3A_320, %max3A_324 : vector<16xf32>
          %max3A_330 = arith.maximumf %max3A_321, %max3A_325 : vector<16xf32>
          %min3A_331 = arith.minimumf %max3A_321, %max3A_325 : vector<16xf32>
          %max3A_332 = arith.maximumf %max3A_322, %max3A_326 : vector<16xf32>
          %min3A_333 = arith.minimumf %max3A_322, %max3A_326 : vector<16xf32>
          %max3A_334 = arith.maximumf %max3A_323, %max3A_327 : vector<16xf32>
          %min3A_335 = arith.minimumf %max3A_323, %max3A_327 : vector<16xf32>
          %max3A_336 = arith.maximumf %max3A_328, %max3A_332 : vector<16xf32>
          %min3A_337 = arith.minimumf %max3A_328, %max3A_332 : vector<16xf32>
          %max3A_338 = arith.maximumf %max3A_330, %max3A_334 : vector<16xf32>
          %min3A_339 = arith.minimumf %max3A_330, %max3A_334 : vector<16xf32>
          %max3A_340 = arith.maximumf %min3A_329, %min3A_333 : vector<16xf32>
          %min3A_341 = arith.minimumf %min3A_329, %min3A_333 : vector<16xf32>
          %max3A_342 = arith.maximumf %min3A_331, %min3A_335 : vector<16xf32>
          %min3A_343 = arith.minimumf %min3A_331, %min3A_335 : vector<16xf32>
          %max3A_344 = arith.maximumf %max3A_336, %max3A_338 : vector<16xf32>
          %min3A_345 = arith.minimumf %max3A_336, %max3A_338 : vector<16xf32>
          %max3A_346 = arith.maximumf %min3A_337, %min3A_339 : vector<16xf32>
          %min3A_347 = arith.minimumf %min3A_337, %min3A_339 : vector<16xf32>
          %max3A_348 = arith.maximumf %max3A_340, %max3A_342 : vector<16xf32>
          %min3A_349 = arith.minimumf %max3A_340, %max3A_342 : vector<16xf32>
          %max3A_350 = arith.maximumf %min3A_341, %min3A_343 : vector<16xf32>
          %min3A_351 = arith.minimumf %min3A_341, %min3A_343 : vector<16xf32>
          %add3A_352 = arith.constant 208 : i32
          %add3A_353 = vector.broadcast %add3A_352 : i32 to vector<16xi32>
          %add3A_354 = arith.addi %scan3A_212, %add3A_353 : vector<16xi32>
          scf.yield %add3A_354, %max3A_344, %min3A_345, %max3A_346, %min3A_347, %max3A_348, %min3A_349, %max3A_350, %min3A_351 : vector<16xi32>, vector<16xf32>, vector<16xf32>, vector<16xf32>, vector<16xf32>, vector<16xf32>, vector<16xf32>, vector<16xf32>, vector<16xf32>
        }
        %scan3A_167 = arith.constant 25 : i32
        %lt3A_168 = arith.constant 13 : i32
        %lt3A_169 = vector.broadcast %lt3A_168 : i32 to vector<16xi32>
        %lt3A_170 = arith.cmpi slt, %iota3A, %lt3A_169 : vector<16xi32>
        %mul3A_171 = arith.mulf %mul3A_158, %scan3A_166#1 : vector<16xf32>
        %add3A_172 = arith.addf %mul3A_171, %get3A_149 : vector<16xf32>
        %add3A_173 = arith.constant 104 : i32
        %add3A_174 = vector.broadcast %add3A_173 : i32 to vector<16xi32>
        %add3A_175 = arith.addi %mul3A_5, %add3A_174 : vector<16xi32>
        tpu.vector_store_idx %arg10[%add3A_86, %add3A_175], %add3A_172 masked %lt3A_170 : memref<8x208xf32, #tpu.memory_space<vmem>>[vector<16xi32>, vector<16xi32>], vector<16xf32>, vector<16xi1>
        %mul3A_176 = arith.mulf %mul3A_158, %scan3A_166#2 : vector<16xf32>
        %add3A_177 = arith.addf %mul3A_176, %get3A_149 : vector<16xf32>
        %add3A_178 = arith.constant 105 : i32
        %add3A_179 = vector.broadcast %add3A_178 : i32 to vector<16xi32>
        %add3A_180 = arith.addi %mul3A_5, %add3A_179 : vector<16xi32>
        tpu.vector_store_idx %arg10[%add3A_86, %add3A_180], %add3A_177 masked %lt3A_170 : memref<8x208xf32, #tpu.memory_space<vmem>>[vector<16xi32>, vector<16xi32>], vector<16xf32>, vector<16xi1>
        %mul3A_181 = arith.mulf %mul3A_158, %scan3A_166#3 : vector<16xf32>
        %add3A_182 = arith.addf %mul3A_181, %get3A_149 : vector<16xf32>
        %add3A_183 = arith.constant 106 : i32
        %add3A_184 = vector.broadcast %add3A_183 : i32 to vector<16xi32>
        %add3A_185 = arith.addi %mul3A_5, %add3A_184 : vector<16xi32>
        tpu.vector_store_idx %arg10[%add3A_86, %add3A_185], %add3A_182 masked %lt3A_170 : memref<8x208xf32, #tpu.memory_space<vmem>>[vector<16xi32>, vector<16xi32>], vector<16xf32>, vector<16xi1>
        %mul3A_186 = arith.mulf %mul3A_158, %scan3A_166#4 : vector<16xf32>
        %add3A_187 = arith.addf %mul3A_186, %get3A_149 : vector<16xf32>
        %add3A_188 = arith.constant 107 : i32
        %add3A_189 = vector.broadcast %add3A_188 : i32 to vector<16xi32>
        %add3A_190 = arith.addi %mul3A_5, %add3A_189 : vector<16xi32>
        tpu.vector_store_idx %arg10[%add3A_86, %add3A_190], %add3A_187 masked %lt3A_170 : memref<8x208xf32, #tpu.memory_space<vmem>>[vector<16xi32>, vector<16xi32>], vector<16xf32>, vector<16xi1>
        %mul3A_191 = arith.mulf %mul3A_158, %scan3A_166#5 : vector<16xf32>
        %add3A_192 = arith.addf %mul3A_191, %get3A_149 : vector<16xf32>
        %add3A_193 = arith.constant 108 : i32
        %add3A_194 = vector.broadcast %add3A_193 : i32 to vector<16xi32>
        %add3A_195 = arith.addi %mul3A_5, %add3A_194 : vector<16xi32>
        tpu.vector_store_idx %arg10[%add3A_86, %add3A_195], %add3A_192 masked %lt3A_170 : memref<8x208xf32, #tpu.memory_space<vmem>>[vector<16xi32>, vector<16xi32>], vector<16xf32>, vector<16xi1>
        %mul3A_196 = arith.mulf %mul3A_158, %scan3A_166#6 : vector<16xf32>
        %add3A_197 = arith.addf %mul3A_196, %get3A_149 : vector<16xf32>
        %add3A_198 = arith.constant 109 : i32
        %add3A_199 = vector.broadcast %add3A_198 : i32 to vector<16xi32>
        %add3A_200 = arith.addi %mul3A_5, %add3A_199 : vector<16xi32>
        tpu.vector_store_idx %arg10[%add3A_86, %add3A_200], %add3A_197 masked %lt3A_170 : memref<8x208xf32, #tpu.memory_space<vmem>>[vector<16xi32>, vector<16xi32>], vector<16xf32>, vector<16xi1>
        %mul3A_201 = arith.mulf %mul3A_158, %scan3A_166#7 : vector<16xf32>
        %add3A_202 = arith.addf %mul3A_201, %get3A_149 : vector<16xf32>
        %add3A_203 = arith.constant 110 : i32
        %add3A_204 = vector.broadcast %add3A_203 : i32 to vector<16xi32>
        %add3A_205 = arith.addi %mul3A_5, %add3A_204 : vector<16xi32>
        tpu.vector_store_idx %arg10[%add3A_86, %add3A_205], %add3A_202 masked %lt3A_170 : memref<8x208xf32, #tpu.memory_space<vmem>>[vector<16xi32>, vector<16xi32>], vector<16xf32>, vector<16xi1>
        %mul3A_206 = arith.mulf %mul3A_158, %scan3A_166#8 : vector<16xf32>
        %add3A_207 = arith.addf %mul3A_206, %get3A_149 : vector<16xf32>
        %add3A_208 = arith.constant 111 : i32
        %add3A_209 = vector.broadcast %add3A_208 : i32 to vector<16xi32>
        %add3A_210 = arith.addi %mul3A_5, %add3A_209 : vector<16xi32>
        tpu.vector_store_idx %arg10[%add3A_86, %add3A_210], %add3A_207 masked %lt3A_170 : memref<8x208xf32, #tpu.memory_space<vmem>>[vector<16xi32>, vector<16xi32>], vector<16xf32>, vector<16xi1>
      }
      %scan3A_43 = arith.constant 8 : i32
      %dma_start3A_44 = arith.constant 0 : i32
      %dma_start3A_45 = tpu.memref_slice %arg5[%add3A_37, %dma_start3A_44] : memref<4096x208xf32, #tpu.memory_space<hbm>> -> memref<8x208xf32, #tpu.memory_space<hbm>>
      %dma_start3A_46 = arith.constant 0 : i32
      %dma_start3A_47 = tpu.memref_slice %arg5[%add3A_37, %dma_start3A_46] : memref<4096x208xf32, #tpu.memory_space<hbm>> -> memref<8x208xf32, #tpu.memory_space<hbm>>
      tpu.enqueue_dma source(%arg10 : memref<8x208xf32, #tpu.memory_space<vmem>>) target(%dma_start3A_47 : memref<8x208xf32, #tpu.memory_space<hbm>>) target_semaphore(%arg13 : memref<!tpu.dma_semaphore, #tpu.memory_space<semaphore_mem>>)
      %dma_wait3A_48 = arith.constant 0 : i32
      %dma_wait3A_49 = tpu.memref_slice %arg5[%add3A_37, %dma_wait3A_48] : memref<4096x208xf32, #tpu.memory_space<hbm>> -> memref<8x208xf32, #tpu.memory_space<hbm>>
      %dma_wait3A_50 = arith.constant 0 : i32
      %dma_wait3A_51 = tpu.memref_slice %arg5[%add3A_37, %dma_wait3A_50] : memref<4096x208xf32, #tpu.memory_space<hbm>> -> memref<8x208xf32, #tpu.memory_space<hbm>>
      tpu.wait_dma2 semaphore(%arg13 : memref<!tpu.dma_semaphore, #tpu.memory_space<semaphore_mem>>) src(%arg10 : memref<8x208xf32, #tpu.memory_space<vmem>>) dst(%dma_wait3A_51 : memref<8x208xf32, #tpu.memory_space<hbm>>)
      %lt3A = arith.constant 7 : i32
      %lt3A_52 = arith.cmpi slt, %scan3A_17, %lt3A : i32
      %convert_element_type3A = arith.extui %lt3A_52 : i1 to i32
      %cond3A = arith.constant 0 : i32
      %cond3A_53 = arith.cmpi ne, %convert_element_type3A, %cond3A : i32
      scf.if %cond3A_53 {
        %add3A_82 = arith.constant 2 : i32
        %add3A_83 = arith.addi %mul3A_19, %add3A_82 : i32
        %mul3A_84 = arith.constant 8 : i32
        %mul3A_85 = arith.muli %add3A_83, %mul3A_84 : i32
        %add3A_86 = arith.addi %mul3A_2, %mul3A_85 : i32
        %dma_start3A_87 = arith.constant 0 : i32
        %dma_start3A_88 = tpu.memref_slice %arg2[%add3A_86, %dma_start3A_87] : memref<4096x5200xf32, #tpu.memory_space<hbm>> -> memref<8x5200xf32, #tpu.memory_space<hbm>>
        %dma_start3A_89 = arith.constant 0 : i32
        %dma_start3A_90 = tpu.memref_slice %arg2[%add3A_86, %dma_start3A_89] : memref<4096x5200xf32, #tpu.memory_space<hbm>> -> memref<8x5200xf32, #tpu.memory_space<hbm>>
        tpu.enqueue_dma source(%dma_start3A_90 : memref<8x5200xf32, #tpu.memory_space<hbm>>) target(%arg8 : memref<8x5200xf32, #tpu.memory_space<vmem>>) target_semaphore(%arg11 : memref<!tpu.dma_semaphore, #tpu.memory_space<semaphore_mem>>)
      } else {
      }
      %add3A_54 = arith.constant 1 : i32
      %add3A_55 = arith.addi %mul3A_19, %add3A_54 : i32
      %mul3A_56 = arith.constant 8 : i32
      %mul3A_57 = arith.muli %add3A_55, %mul3A_56 : i32
      %add3A_58 = arith.addi %mul3A_2, %mul3A_57 : i32
      %dma_wait3A_59 = arith.constant 0 : i32
      %dma_wait3A_60 = tpu.memref_slice %arg2[%add3A_58, %dma_wait3A_59] : memref<4096x5200xf32, #tpu.memory_space<hbm>> -> memref<8x5200xf32, #tpu.memory_space<hbm>>
      %dma_wait3A_61 = arith.constant 0 : i32
      %dma_wait3A_62 = tpu.memref_slice %arg2[%add3A_58, %dma_wait3A_61] : memref<4096x5200xf32, #tpu.memory_space<hbm>> -> memref<8x5200xf32, #tpu.memory_space<hbm>>
      tpu.wait_dma2 semaphore(%arg12 : memref<!tpu.dma_semaphore, #tpu.memory_space<semaphore_mem>>) src(%dma_wait3A_62 : memref<8x5200xf32, #tpu.memory_space<hbm>>) dst(%arg9 : memref<8x5200xf32, #tpu.memory_space<vmem>>)
      %add3A_63 = arith.constant 1 : i32
      %add3A_64 = arith.addi %mul3A_19, %add3A_63 : i32
      %mul3A_65 = arith.constant 8 : i32
      %mul3A_66 = arith.muli %add3A_64, %mul3A_65 : i32
      %add3A_67 = arith.addi %mul3A_2, %mul3A_66 : i32
      %scan3A_68 = arith.constant 0 : i32
      %scan3A_69 = arith.constant 0 : i32
      %scan3A_70 = arith.constant 8 : i32
      %scan3A_71 = arith.addi %scan3A_69, %scan3A_70 : i32
      %scan3A_72 = arith.constant 1 : i32
      scf.for %scan3A_82 = %scan3A_69 to %scan3A_71 step %scan3A_72  : i32 {
        %broadcast_in_dim3A_83 = arith.constant 0 : i32
        %broadcast_in_dim3A_84 = vector.broadcast %broadcast_in_dim3A_83 : i32 to vector<16xi32>
        %add3A_85 = vector.broadcast %scan3A_82 : i32 to vector<16xi32>
        %add3A_86 = arith.addi %broadcast_in_dim3A_84, %add3A_85 : vector<16xi32>
        %get3A = arith.constant 0 : index
        %get3A_87 = tpu.vector_load %arg6[%get3A] {strides = array<i32>} : memref<32xf32, #tpu.memory_space<vmem>>, vector<16xf32>,
        %get3A_88 = arith.constant 0 : index
        %get3A_89 = tpu.vector_load %arg7[%get3A_88] {strides = array<i32>} : memref<32xf32, #tpu.memory_space<vmem>>, vector<16xf32>,
        %lt3A_90 = arith.constant 0.000000e+00 : f32
        %lt3A_91 = vector.broadcast %lt3A_90 : f32 to vector<16xf32>
        %lt3A_92 = arith.cmpf olt, %get3A_87, %lt3A_91 : vector<16xf32>
        %jit3A = arith.constant -1.000000e+00 : f32
        %jit3A_93 = arith.constant 1.000000e+00 : f32
        %broadcast_in_dim3A_94 = vector.broadcast %jit3A : f32 to vector<16xf32>
        %broadcast_in_dim3A_95 = vector.broadcast %jit3A_93 : f32 to vector<16xf32>
        %select_n3A = arith.select %lt3A_92, %broadcast_in_dim3A_94, %broadcast_in_dim3A_95 : vector<16xi1>, vector<16xf32>
        %mul3A_96 = arith.mulf %get3A_87, %select_n3A : vector<16xf32>
        %add3A_97 = arith.constant 0 : i32
        %add3A_98 = vector.broadcast %add3A_97 : i32 to vector<16xi32>
        %add3A_99 = arith.addi %iota3A, %add3A_98 : vector<16xi32>
        %scan3A_100 = arith.constant 0 : i32
        %scan3A_101 = arith.constant 25 : i32
        %scan3A_102 = arith.addi %scan3A_100, %scan3A_101 : i32
        %scan3A_103 = arith.constant 1 : i32
        %scan3A_104:9 = scf.for %scan3A_211 = %scan3A_100 to %scan3A_102 step %scan3A_103 iter_args(%scan3A_212 = %add3A_99, %scan3A_213 = %broadcast_in_dim3A_6, %scan3A_214 = %broadcast_in_dim3A_6, %scan3A_215 = %broadcast_in_dim3A_6, %scan3A_216 = %broadcast_in_dim3A_6, %scan3A_217 = %broadcast_in_dim3A_6, %scan3A_218 = %broadcast_in_dim3A_6, %scan3A_219 = %broadcast_in_dim3A_6, %scan3A_220 = %broadcast_in_dim3A_6) -> (vector<16xi32>, vector<16xf32>, vector<16xf32>, vector<16xf32>, vector<16xf32>, vector<16xf32>, vector<16xf32>, vector<16xf32>, vector<16xf32>)  : i32 {
          %add3A_221 = arith.constant 0 : i32
          %add3A_222 = vector.broadcast %add3A_221 : i32 to vector<16xi32>
          %add3A_223 = arith.addi %scan3A_212, %add3A_222 : vector<16xi32>
          %gather3A = tpu.vector_load_idx %arg9[%add3A_86, %add3A_223] : memref<8x5200xf32, #tpu.memory_space<vmem>>[vector<16xi32>, vector<16xi32>], vector<16xf32>,
          %mul3A_224 = arith.mulf %select_n3A, %gather3A : vector<16xf32>
          %add3A_225 = arith.constant 26 : i32
          %add3A_226 = vector.broadcast %add3A_225 : i32 to vector<16xi32>
          %add3A_227 = arith.addi %scan3A_212, %add3A_226 : vector<16xi32>
          %gather3A_228 = tpu.vector_load_idx %arg9[%add3A_86, %add3A_227] : memref<8x5200xf32, #tpu.memory_space<vmem>>[vector<16xi32>, vector<16xi32>], vector<16xf32>,
          %mul3A_229 = arith.mulf %select_n3A, %gather3A_228 : vector<16xf32>
          %add3A_230 = arith.constant 52 : i32
          %add3A_231 = vector.broadcast %add3A_230 : i32 to vector<16xi32>
          %add3A_232 = arith.addi %scan3A_212, %add3A_231 : vector<16xi32>
          %gather3A_233 = tpu.vector_load_idx %arg9[%add3A_86, %add3A_232] : memref<8x5200xf32, #tpu.memory_space<vmem>>[vector<16xi32>, vector<16xi32>], vector<16xf32>,
          %mul3A_234 = arith.mulf %select_n3A, %gather3A_233 : vector<16xf32>
          %add3A_235 = arith.constant 78 : i32
          %add3A_236 = vector.broadcast %add3A_235 : i32 to vector<16xi32>
          %add3A_237 = arith.addi %scan3A_212, %add3A_236 : vector<16xi32>
          %gather3A_238 = tpu.vector_load_idx %arg9[%add3A_86, %add3A_237] : memref<8x5200xf32, #tpu.memory_space<vmem>>[vector<16xi32>, vector<16xi32>], vector<16xf32>,
          %mul3A_239 = arith.mulf %select_n3A, %gather3A_238 : vector<16xf32>
          %add3A_240 = arith.constant 104 : i32
          %add3A_241 = vector.broadcast %add3A_240 : i32 to vector<16xi32>
          %add3A_242 = arith.addi %scan3A_212, %add3A_241 : vector<16xi32>
          %gather3A_243 = tpu.vector_load_idx %arg9[%add3A_86, %add3A_242] : memref<8x5200xf32, #tpu.memory_space<vmem>>[vector<16xi32>, vector<16xi32>], vector<16xf32>,
          %mul3A_244 = arith.mulf %select_n3A, %gather3A_243 : vector<16xf32>
          %add3A_245 = arith.constant 130 : i32
          %add3A_246 = vector.broadcast %add3A_245 : i32 to vector<16xi32>
          %add3A_247 = arith.addi %scan3A_212, %add3A_246 : vector<16xi32>
          %gather3A_248 = tpu.vector_load_idx %arg9[%add3A_86, %add3A_247] : memref<8x5200xf32, #tpu.memory_space<vmem>>[vector<16xi32>, vector<16xi32>], vector<16xf32>,
          %mul3A_249 = arith.mulf %select_n3A, %gather3A_248 : vector<16xf32>
          %add3A_250 = arith.constant 156 : i32
          %add3A_251 = vector.broadcast %add3A_250 : i32 to vector<16xi32>
          %add3A_252 = arith.addi %scan3A_212, %add3A_251 : vector<16xi32>
          %gather3A_253 = tpu.vector_load_idx %arg9[%add3A_86, %add3A_252] : memref<8x5200xf32, #tpu.memory_space<vmem>>[vector<16xi32>, vector<16xi32>], vector<16xf32>,
          %mul3A_254 = arith.mulf %select_n3A, %gather3A_253 : vector<16xf32>
          %add3A_255 = arith.constant 182 : i32
          %add3A_256 = vector.broadcast %add3A_255 : i32 to vector<16xi32>
          %add3A_257 = arith.addi %scan3A_212, %add3A_256 : vector<16xi32>
          %gather3A_258 = tpu.vector_load_idx %arg9[%add3A_86, %add3A_257] : memref<8x5200xf32, #tpu.memory_space<vmem>>[vector<16xi32>, vector<16xi32>], vector<16xf32>,
          %mul3A_259 = arith.mulf %select_n3A, %gather3A_258 : vector<16xf32>
          %min3A = arith.minimumf %mul3A_224, %mul3A_229 : vector<16xf32>
          %max3A = arith.maximumf %mul3A_224, %mul3A_229 : vector<16xf32>
          %min3A_260 = arith.minimumf %mul3A_234, %mul3A_239 : vector<16xf32>
          %max3A_261 = arith.maximumf %mul3A_234, %mul3A_239 : vector<16xf32>
          %min3A_262 = arith.minimumf %mul3A_244, %mul3A_249 : vector<16xf32>
          %max3A_263 = arith.maximumf %mul3A_244, %mul3A_249 : vector<16xf32>
          %min3A_264 = arith.minimumf %mul3A_254, %mul3A_259 : vector<16xf32>
          %max3A_265 = arith.maximumf %mul3A_254, %mul3A_259 : vector<16xf32>
          %min3A_266 = arith.minimumf %min3A, %min3A_260 : vector<16xf32>
          %max3A_267 = arith.maximumf %min3A, %min3A_260 : vector<16xf32>
          %min3A_268 = arith.minimumf %max3A, %max3A_261 : vector<16xf32>
          %max3A_269 = arith.maximumf %max3A, %max3A_261 : vector<16xf32>
          %min3A_270 = arith.minimumf %min3A_262, %min3A_264 : vector<16xf32>
          %max3A_271 = arith.maximumf %min3A_262, %min3A_264 : vector<16xf32>
          %min3A_272 = arith.minimumf %max3A_263, %max3A_265 : vector<16xf32>
          %max3A_273 = arith.maximumf %max3A_263, %max3A_265 : vector<16xf32>
          %min3A_274 = arith.minimumf %min3A_268, %max3A_267 : vector<16xf32>
          %max3A_275 = arith.maximumf %min3A_268, %max3A_267 : vector<16xf32>
          %min3A_276 = arith.minimumf %min3A_272, %max3A_271 : vector<16xf32>
          %max3A_277 = arith.maximumf %min3A_272, %max3A_271 : vector<16xf32>
          %min3A_278 = arith.minimumf %min3A_266, %min3A_270 : vector<16xf32>
          %max3A_279 = arith.maximumf %min3A_266, %min3A_270 : vector<16xf32>
          %min3A_280 = arith.minimumf %min3A_274, %min3A_276 : vector<16xf32>
          %max3A_281 = arith.maximumf %min3A_274, %min3A_276 : vector<16xf32>
          %min3A_282 = arith.minimumf %max3A_275, %max3A_277 : vector<16xf32>
          %max3A_283 = arith.maximumf %max3A_275, %max3A_277 : vector<16xf32>
          %min3A_284 = arith.minimumf %max3A_269, %max3A_273 : vector<16xf32>
          %max3A_285 = arith.maximumf %max3A_269, %max3A_273 : vector<16xf32>
          %min3A_286 = arith.minimumf %min3A_282, %max3A_279 : vector<16xf32>
          %max3A_287 = arith.maximumf %min3A_282, %max3A_279 : vector<16xf32>
          %min3A_288 = arith.minimumf %min3A_284, %max3A_281 : vector<16xf32>
          %max3A_289 = arith.maximumf %min3A_284, %max3A_281 : vector<16xf32>
          %min3A_290 = arith.minimumf %min3A_280, %min3A_286 : vector<16xf32>
          %max3A_291 = arith.maximumf %min3A_280, %min3A_286 : vector<16xf32>
          %min3A_292 = arith.minimumf %min3A_288, %max3A_287 : vector<16xf32>
          %max3A_293 = arith.maximumf %min3A_288, %max3A_287 : vector<16xf32>
          %min3A_294 = arith.minimumf %max3A_289, %max3A_283 : vector<16xf32>
          %max3A_295 = arith.maximumf %max3A_289, %max3A_283 : vector<16xf32>
          %max3A_296 = arith.maximumf %scan3A_213, %min3A_278 : vector<16xf32>
          %max3A_297 = arith.maximumf %scan3A_214, %min3A_290 : vector<16xf32>
          %max3A_298 = arith.maximumf %scan3A_215, %max3A_291 : vector<16xf32>
          %max3A_299 = arith.maximumf %scan3A_216, %min3A_292 : vector<16xf32>
          %max3A_300 = arith.maximumf %scan3A_217, %max3A_293 : vector<16xf32>
          %max3A_301 = arith.maximumf %scan3A_218, %min3A_294 : vector<16xf32>
          %max3A_302 = arith.maximumf %scan3A_219, %max3A_295 : vector<16xf32>
          %max3A_303 = arith.maximumf %scan3A_220, %max3A_285 : vector<16xf32>
          %max3A_304 = arith.maximumf %max3A_296, %max3A_300 : vector<16xf32>
          %min3A_305 = arith.minimumf %max3A_296, %max3A_300 : vector<16xf32>
          %max3A_306 = arith.maximumf %max3A_297, %max3A_301 : vector<16xf32>
          %min3A_307 = arith.minimumf %max3A_297, %max3A_301 : vector<16xf32>
          %max3A_308 = arith.maximumf %max3A_298, %max3A_302 : vector<16xf32>
          %min3A_309 = arith.minimumf %max3A_298, %max3A_302 : vector<16xf32>
          %max3A_310 = arith.maximumf %max3A_299, %max3A_303 : vector<16xf32>
          %min3A_311 = arith.minimumf %max3A_299, %max3A_303 : vector<16xf32>
          %max3A_312 = arith.maximumf %max3A_304, %max3A_308 : vector<16xf32>
          %min3A_313 = arith.minimumf %max3A_304, %max3A_308 : vector<16xf32>
          %max3A_314 = arith.maximumf %max3A_306, %max3A_310 : vector<16xf32>
          %min3A_315 = arith.minimumf %max3A_306, %max3A_310 : vector<16xf32>
          %max3A_316 = arith.maximumf %min3A_305, %min3A_309 : vector<16xf32>
          %min3A_317 = arith.minimumf %min3A_305, %min3A_309 : vector<16xf32>
          %max3A_318 = arith.maximumf %min3A_307, %min3A_311 : vector<16xf32>
          %min3A_319 = arith.minimumf %min3A_307, %min3A_311 : vector<16xf32>
          %max3A_320 = arith.maximumf %max3A_312, %max3A_314 : vector<16xf32>
          %min3A_321 = arith.minimumf %max3A_312, %max3A_314 : vector<16xf32>
          %max3A_322 = arith.maximumf %min3A_313, %min3A_315 : vector<16xf32>
          %min3A_323 = arith.minimumf %min3A_313, %min3A_315 : vector<16xf32>
          %max3A_324 = arith.maximumf %max3A_316, %max3A_318 : vector<16xf32>
          %min3A_325 = arith.minimumf %max3A_316, %max3A_318 : vector<16xf32>
          %max3A_326 = arith.maximumf %min3A_317, %min3A_319 : vector<16xf32>
          %min3A_327 = arith.minimumf %min3A_317, %min3A_319 : vector<16xf32>
          %add3A_328 = arith.constant 208 : i32
          %add3A_329 = vector.broadcast %add3A_328 : i32 to vector<16xi32>
          %add3A_330 = arith.addi %scan3A_212, %add3A_329 : vector<16xi32>
          scf.yield %add3A_330, %max3A_320, %min3A_321, %max3A_322, %min3A_323, %max3A_324, %min3A_325, %max3A_326, %min3A_327 : vector<16xi32>, vector<16xf32>, vector<16xf32>, vector<16xf32>, vector<16xf32>, vector<16xf32>, vector<16xf32>, vector<16xf32>, vector<16xf32>
        }
        %scan3A_105 = arith.constant 25 : i32
        %mul3A_106 = arith.mulf %mul3A_96, %scan3A_104#1 : vector<16xf32>
        %add3A_107 = arith.addf %mul3A_106, %get3A_89 : vector<16xf32>
        %add3A_108 = arith.constant 0 : i32
        %add3A_109 = vector.broadcast %add3A_108 : i32 to vector<16xi32>
        %add3A_110 = arith.addi %mul3A_5, %add3A_109 : vector<16xi32>
        tpu.vector_store_idx %arg10[%add3A_86, %add3A_110], %add3A_107 : memref<8x208xf32, #tpu.memory_space<vmem>>[vector<16xi32>, vector<16xi32>], vector<16xf32>,
        %mul3A_111 = arith.mulf %mul3A_96, %scan3A_104#2 : vector<16xf32>
        %add3A_112 = arith.addf %mul3A_111, %get3A_89 : vector<16xf32>
        %add3A_113 = arith.constant 1 : i32
        %add3A_114 = vector.broadcast %add3A_113 : i32 to vector<16xi32>
        %add3A_115 = arith.addi %mul3A_5, %add3A_114 : vector<16xi32>
        tpu.vector_store_idx %arg10[%add3A_86, %add3A_115], %add3A_112 : memref<8x208xf32, #tpu.memory_space<vmem>>[vector<16xi32>, vector<16xi32>], vector<16xf32>,
        %mul3A_116 = arith.mulf %mul3A_96, %scan3A_104#3 : vector<16xf32>
        %add3A_117 = arith.addf %mul3A_116, %get3A_89 : vector<16xf32>
        %add3A_118 = arith.constant 2 : i32
        %add3A_119 = vector.broadcast %add3A_118 : i32 to vector<16xi32>
        %add3A_120 = arith.addi %mul3A_5, %add3A_119 : vector<16xi32>
        tpu.vector_store_idx %arg10[%add3A_86, %add3A_120], %add3A_117 : memref<8x208xf32, #tpu.memory_space<vmem>>[vector<16xi32>, vector<16xi32>], vector<16xf32>,
        %mul3A_121 = arith.mulf %mul3A_96, %scan3A_104#4 : vector<16xf32>
        %add3A_122 = arith.addf %mul3A_121, %get3A_89 : vector<16xf32>
        %add3A_123 = arith.constant 3 : i32
        %add3A_124 = vector.broadcast %add3A_123 : i32 to vector<16xi32>
        %add3A_125 = arith.addi %mul3A_5, %add3A_124 : vector<16xi32>
        tpu.vector_store_idx %arg10[%add3A_86, %add3A_125], %add3A_122 : memref<8x208xf32, #tpu.memory_space<vmem>>[vector<16xi32>, vector<16xi32>], vector<16xf32>,
        %mul3A_126 = arith.mulf %mul3A_96, %scan3A_104#5 : vector<16xf32>
        %add3A_127 = arith.addf %mul3A_126, %get3A_89 : vector<16xf32>
        %add3A_128 = arith.constant 4 : i32
        %add3A_129 = vector.broadcast %add3A_128 : i32 to vector<16xi32>
        %add3A_130 = arith.addi %mul3A_5, %add3A_129 : vector<16xi32>
        tpu.vector_store_idx %arg10[%add3A_86, %add3A_130], %add3A_127 : memref<8x208xf32, #tpu.memory_space<vmem>>[vector<16xi32>, vector<16xi32>], vector<16xf32>,
        %mul3A_131 = arith.mulf %mul3A_96, %scan3A_104#6 : vector<16xf32>
        %add3A_132 = arith.addf %mul3A_131, %get3A_89 : vector<16xf32>
        %add3A_133 = arith.constant 5 : i32
        %add3A_134 = vector.broadcast %add3A_133 : i32 to vector<16xi32>
        %add3A_135 = arith.addi %mul3A_5, %add3A_134 : vector<16xi32>
        tpu.vector_store_idx %arg10[%add3A_86, %add3A_135], %add3A_132 : memref<8x208xf32, #tpu.memory_space<vmem>>[vector<16xi32>, vector<16xi32>], vector<16xf32>,
        %mul3A_136 = arith.mulf %mul3A_96, %scan3A_104#7 : vector<16xf32>
        %add3A_137 = arith.addf %mul3A_136, %get3A_89 : vector<16xf32>
        %add3A_138 = arith.constant 6 : i32
        %add3A_139 = vector.broadcast %add3A_138 : i32 to vector<16xi32>
        %add3A_140 = arith.addi %mul3A_5, %add3A_139 : vector<16xi32>
        tpu.vector_store_idx %arg10[%add3A_86, %add3A_140], %add3A_137 : memref<8x208xf32, #tpu.memory_space<vmem>>[vector<16xi32>, vector<16xi32>], vector<16xf32>,
        %mul3A_141 = arith.mulf %mul3A_96, %scan3A_104#8 : vector<16xf32>
        %add3A_142 = arith.addf %mul3A_141, %get3A_89 : vector<16xf32>
        %add3A_143 = arith.constant 7 : i32
        %add3A_144 = vector.broadcast %add3A_143 : i32 to vector<16xi32>
        %add3A_145 = arith.addi %mul3A_5, %add3A_144 : vector<16xi32>
        tpu.vector_store_idx %arg10[%add3A_86, %add3A_145], %add3A_142 : memref<8x208xf32, #tpu.memory_space<vmem>>[vector<16xi32>, vector<16xi32>], vector<16xf32>,
        %get3A_146 = arith.constant 13 : index
        %get3A_147 = tpu.vector_load %arg6[%get3A_146] {strides = array<i32>} : memref<32xf32, #tpu.memory_space<vmem>>, vector<16xf32>,
        %get3A_148 = arith.constant 13 : index
        %get3A_149 = tpu.vector_load %arg7[%get3A_148] {strides = array<i32>} : memref<32xf32, #tpu.memory_space<vmem>>, vector<16xf32>,
        %lt3A_150 = arith.constant 0.000000e+00 : f32
        %lt3A_151 = vector.broadcast %lt3A_150 : f32 to vector<16xf32>
        %lt3A_152 = arith.cmpf olt, %get3A_147, %lt3A_151 : vector<16xf32>
        %jit3A_153 = arith.constant -1.000000e+00 : f32
        %jit3A_154 = arith.constant 1.000000e+00 : f32
        %broadcast_in_dim3A_155 = vector.broadcast %jit3A_153 : f32 to vector<16xf32>
        %broadcast_in_dim3A_156 = vector.broadcast %jit3A_154 : f32 to vector<16xf32>
        %select_n3A_157 = arith.select %lt3A_152, %broadcast_in_dim3A_155, %broadcast_in_dim3A_156 : vector<16xi1>, vector<16xf32>
        %mul3A_158 = arith.mulf %get3A_147, %select_n3A_157 : vector<16xf32>
        %add3A_159 = arith.constant 13 : i32
        %add3A_160 = vector.broadcast %add3A_159 : i32 to vector<16xi32>
        %add3A_161 = arith.addi %iota3A, %add3A_160 : vector<16xi32>
        %scan3A_162 = arith.constant 0 : i32
        %scan3A_163 = arith.constant 25 : i32
        %scan3A_164 = arith.addi %scan3A_162, %scan3A_163 : i32
        %scan3A_165 = arith.constant 1 : i32
        %scan3A_166:9 = scf.for %scan3A_211 = %scan3A_162 to %scan3A_164 step %scan3A_165 iter_args(%scan3A_212 = %add3A_161, %scan3A_213 = %broadcast_in_dim3A_6, %scan3A_214 = %broadcast_in_dim3A_6, %scan3A_215 = %broadcast_in_dim3A_6, %scan3A_216 = %broadcast_in_dim3A_6, %scan3A_217 = %broadcast_in_dim3A_6, %scan3A_218 = %broadcast_in_dim3A_6, %scan3A_219 = %broadcast_in_dim3A_6, %scan3A_220 = %broadcast_in_dim3A_6) -> (vector<16xi32>, vector<16xf32>, vector<16xf32>, vector<16xf32>, vector<16xf32>, vector<16xf32>, vector<16xf32>, vector<16xf32>, vector<16xf32>)  : i32 {
          %add3A_221 = arith.constant 0 : i32
          %add3A_222 = vector.broadcast %add3A_221 : i32 to vector<16xi32>
          %add3A_223 = arith.addi %scan3A_212, %add3A_222 : vector<16xi32>
          %min3A = arith.constant 5199 : i32
          %min3A_224 = vector.broadcast %min3A : i32 to vector<16xi32>
          %min3A_225 = arith.minsi %add3A_223, %min3A_224 : vector<16xi32>
          %gather3A = tpu.vector_load_idx %arg9[%add3A_86, %min3A_225] : memref<8x5200xf32, #tpu.memory_space<vmem>>[vector<16xi32>, vector<16xi32>], vector<16xf32>,
          %mul3A_226 = arith.mulf %select_n3A_157, %gather3A : vector<16xf32>
          %add3A_227 = arith.constant 26 : i32
          %add3A_228 = vector.broadcast %add3A_227 : i32 to vector<16xi32>
          %add3A_229 = arith.addi %scan3A_212, %add3A_228 : vector<16xi32>
          %min3A_230 = arith.constant 5199 : i32
          %min3A_231 = vector.broadcast %min3A_230 : i32 to vector<16xi32>
          %min3A_232 = arith.minsi %add3A_229, %min3A_231 : vector<16xi32>
          %gather3A_233 = tpu.vector_load_idx %arg9[%add3A_86, %min3A_232] : memref<8x5200xf32, #tpu.memory_space<vmem>>[vector<16xi32>, vector<16xi32>], vector<16xf32>,
          %mul3A_234 = arith.mulf %select_n3A_157, %gather3A_233 : vector<16xf32>
          %add3A_235 = arith.constant 52 : i32
          %add3A_236 = vector.broadcast %add3A_235 : i32 to vector<16xi32>
          %add3A_237 = arith.addi %scan3A_212, %add3A_236 : vector<16xi32>
          %min3A_238 = arith.constant 5199 : i32
          %min3A_239 = vector.broadcast %min3A_238 : i32 to vector<16xi32>
          %min3A_240 = arith.minsi %add3A_237, %min3A_239 : vector<16xi32>
          %gather3A_241 = tpu.vector_load_idx %arg9[%add3A_86, %min3A_240] : memref<8x5200xf32, #tpu.memory_space<vmem>>[vector<16xi32>, vector<16xi32>], vector<16xf32>,
          %mul3A_242 = arith.mulf %select_n3A_157, %gather3A_241 : vector<16xf32>
          %add3A_243 = arith.constant 78 : i32
          %add3A_244 = vector.broadcast %add3A_243 : i32 to vector<16xi32>
          %add3A_245 = arith.addi %scan3A_212, %add3A_244 : vector<16xi32>
          %min3A_246 = arith.constant 5199 : i32
          %min3A_247 = vector.broadcast %min3A_246 : i32 to vector<16xi32>
          %min3A_248 = arith.minsi %add3A_245, %min3A_247 : vector<16xi32>
          %gather3A_249 = tpu.vector_load_idx %arg9[%add3A_86, %min3A_248] : memref<8x5200xf32, #tpu.memory_space<vmem>>[vector<16xi32>, vector<16xi32>], vector<16xf32>,
          %mul3A_250 = arith.mulf %select_n3A_157, %gather3A_249 : vector<16xf32>
          %add3A_251 = arith.constant 104 : i32
          %add3A_252 = vector.broadcast %add3A_251 : i32 to vector<16xi32>
          %add3A_253 = arith.addi %scan3A_212, %add3A_252 : vector<16xi32>
          %min3A_254 = arith.constant 5199 : i32
          %min3A_255 = vector.broadcast %min3A_254 : i32 to vector<16xi32>
          %min3A_256 = arith.minsi %add3A_253, %min3A_255 : vector<16xi32>
          %gather3A_257 = tpu.vector_load_idx %arg9[%add3A_86, %min3A_256] : memref<8x5200xf32, #tpu.memory_space<vmem>>[vector<16xi32>, vector<16xi32>], vector<16xf32>,
          %mul3A_258 = arith.mulf %select_n3A_157, %gather3A_257 : vector<16xf32>
          %add3A_259 = arith.constant 130 : i32
          %add3A_260 = vector.broadcast %add3A_259 : i32 to vector<16xi32>
          %add3A_261 = arith.addi %scan3A_212, %add3A_260 : vector<16xi32>
          %min3A_262 = arith.constant 5199 : i32
          %min3A_263 = vector.broadcast %min3A_262 : i32 to vector<16xi32>
          %min3A_264 = arith.minsi %add3A_261, %min3A_263 : vector<16xi32>
          %gather3A_265 = tpu.vector_load_idx %arg9[%add3A_86, %min3A_264] : memref<8x5200xf32, #tpu.memory_space<vmem>>[vector<16xi32>, vector<16xi32>], vector<16xf32>,
          %mul3A_266 = arith.mulf %select_n3A_157, %gather3A_265 : vector<16xf32>
          %add3A_267 = arith.constant 156 : i32
          %add3A_268 = vector.broadcast %add3A_267 : i32 to vector<16xi32>
          %add3A_269 = arith.addi %scan3A_212, %add3A_268 : vector<16xi32>
          %min3A_270 = arith.constant 5199 : i32
          %min3A_271 = vector.broadcast %min3A_270 : i32 to vector<16xi32>
          %min3A_272 = arith.minsi %add3A_269, %min3A_271 : vector<16xi32>
          %gather3A_273 = tpu.vector_load_idx %arg9[%add3A_86, %min3A_272] : memref<8x5200xf32, #tpu.memory_space<vmem>>[vector<16xi32>, vector<16xi32>], vector<16xf32>,
          %mul3A_274 = arith.mulf %select_n3A_157, %gather3A_273 : vector<16xf32>
          %add3A_275 = arith.constant 182 : i32
          %add3A_276 = vector.broadcast %add3A_275 : i32 to vector<16xi32>
          %add3A_277 = arith.addi %scan3A_212, %add3A_276 : vector<16xi32>
          %min3A_278 = arith.constant 5199 : i32
          %min3A_279 = vector.broadcast %min3A_278 : i32 to vector<16xi32>
          %min3A_280 = arith.minsi %add3A_277, %min3A_279 : vector<16xi32>
          %gather3A_281 = tpu.vector_load_idx %arg9[%add3A_86, %min3A_280] : memref<8x5200xf32, #tpu.memory_space<vmem>>[vector<16xi32>, vector<16xi32>], vector<16xf32>,
          %mul3A_282 = arith.mulf %select_n3A_157, %gather3A_281 : vector<16xf32>
          %min3A_283 = arith.minimumf %mul3A_226, %mul3A_234 : vector<16xf32>
          %max3A = arith.maximumf %mul3A_226, %mul3A_234 : vector<16xf32>
          %min3A_284 = arith.minimumf %mul3A_242, %mul3A_250 : vector<16xf32>
          %max3A_285 = arith.maximumf %mul3A_242, %mul3A_250 : vector<16xf32>
          %min3A_286 = arith.minimumf %mul3A_258, %mul3A_266 : vector<16xf32>
          %max3A_287 = arith.maximumf %mul3A_258, %mul3A_266 : vector<16xf32>
          %min3A_288 = arith.minimumf %mul3A_274, %mul3A_282 : vector<16xf32>
          %max3A_289 = arith.maximumf %mul3A_274, %mul3A_282 : vector<16xf32>
          %min3A_290 = arith.minimumf %min3A_283, %min3A_284 : vector<16xf32>
          %max3A_291 = arith.maximumf %min3A_283, %min3A_284 : vector<16xf32>
          %min3A_292 = arith.minimumf %max3A, %max3A_285 : vector<16xf32>
          %max3A_293 = arith.maximumf %max3A, %max3A_285 : vector<16xf32>
          %min3A_294 = arith.minimumf %min3A_286, %min3A_288 : vector<16xf32>
          %max3A_295 = arith.maximumf %min3A_286, %min3A_288 : vector<16xf32>
          %min3A_296 = arith.minimumf %max3A_287, %max3A_289 : vector<16xf32>
          %max3A_297 = arith.maximumf %max3A_287, %max3A_289 : vector<16xf32>
          %min3A_298 = arith.minimumf %min3A_292, %max3A_291 : vector<16xf32>
          %max3A_299 = arith.maximumf %min3A_292, %max3A_291 : vector<16xf32>
          %min3A_300 = arith.minimumf %min3A_296, %max3A_295 : vector<16xf32>
          %max3A_301 = arith.maximumf %min3A_296, %max3A_295 : vector<16xf32>
          %min3A_302 = arith.minimumf %min3A_290, %min3A_294 : vector<16xf32>
          %max3A_303 = arith.maximumf %min3A_290, %min3A_294 : vector<16xf32>
          %min3A_304 = arith.minimumf %min3A_298, %min3A_300 : vector<16xf32>
          %max3A_305 = arith.maximumf %min3A_298, %min3A_300 : vector<16xf32>
          %min3A_306 = arith.minimumf %max3A_299, %max3A_301 : vector<16xf32>
          %max3A_307 = arith.maximumf %max3A_299, %max3A_301 : vector<16xf32>
          %min3A_308 = arith.minimumf %max3A_293, %max3A_297 : vector<16xf32>
          %max3A_309 = arith.maximumf %max3A_293, %max3A_297 : vector<16xf32>
          %min3A_310 = arith.minimumf %min3A_306, %max3A_303 : vector<16xf32>
          %max3A_311 = arith.maximumf %min3A_306, %max3A_303 : vector<16xf32>
          %min3A_312 = arith.minimumf %min3A_308, %max3A_305 : vector<16xf32>
          %max3A_313 = arith.maximumf %min3A_308, %max3A_305 : vector<16xf32>
          %min3A_314 = arith.minimumf %min3A_304, %min3A_310 : vector<16xf32>
          %max3A_315 = arith.maximumf %min3A_304, %min3A_310 : vector<16xf32>
          %min3A_316 = arith.minimumf %min3A_312, %max3A_311 : vector<16xf32>
          %max3A_317 = arith.maximumf %min3A_312, %max3A_311 : vector<16xf32>
          %min3A_318 = arith.minimumf %max3A_313, %max3A_307 : vector<16xf32>
          %max3A_319 = arith.maximumf %max3A_313, %max3A_307 : vector<16xf32>
          %max3A_320 = arith.maximumf %scan3A_213, %min3A_302 : vector<16xf32>
          %max3A_321 = arith.maximumf %scan3A_214, %min3A_314 : vector<16xf32>
          %max3A_322 = arith.maximumf %scan3A_215, %max3A_315 : vector<16xf32>
          %max3A_323 = arith.maximumf %scan3A_216, %min3A_316 : vector<16xf32>
          %max3A_324 = arith.maximumf %scan3A_217, %max3A_317 : vector<16xf32>
          %max3A_325 = arith.maximumf %scan3A_218, %min3A_318 : vector<16xf32>
          %max3A_326 = arith.maximumf %scan3A_219, %max3A_319 : vector<16xf32>
          %max3A_327 = arith.maximumf %scan3A_220, %max3A_309 : vector<16xf32>
          %max3A_328 = arith.maximumf %max3A_320, %max3A_324 : vector<16xf32>
          %min3A_329 = arith.minimumf %max3A_320, %max3A_324 : vector<16xf32>
          %max3A_330 = arith.maximumf %max3A_321, %max3A_325 : vector<16xf32>
          %min3A_331 = arith.minimumf %max3A_321, %max3A_325 : vector<16xf32>
          %max3A_332 = arith.maximumf %max3A_322, %max3A_326 : vector<16xf32>
          %min3A_333 = arith.minimumf %max3A_322, %max3A_326 : vector<16xf32>
          %max3A_334 = arith.maximumf %max3A_323, %max3A_327 : vector<16xf32>
          %min3A_335 = arith.minimumf %max3A_323, %max3A_327 : vector<16xf32>
          %max3A_336 = arith.maximumf %max3A_328, %max3A_332 : vector<16xf32>
          %min3A_337 = arith.minimumf %max3A_328, %max3A_332 : vector<16xf32>
          %max3A_338 = arith.maximumf %max3A_330, %max3A_334 : vector<16xf32>
          %min3A_339 = arith.minimumf %max3A_330, %max3A_334 : vector<16xf32>
          %max3A_340 = arith.maximumf %min3A_329, %min3A_333 : vector<16xf32>
          %min3A_341 = arith.minimumf %min3A_329, %min3A_333 : vector<16xf32>
          %max3A_342 = arith.maximumf %min3A_331, %min3A_335 : vector<16xf32>
          %min3A_343 = arith.minimumf %min3A_331, %min3A_335 : vector<16xf32>
          %max3A_344 = arith.maximumf %max3A_336, %max3A_338 : vector<16xf32>
          %min3A_345 = arith.minimumf %max3A_336, %max3A_338 : vector<16xf32>
          %max3A_346 = arith.maximumf %min3A_337, %min3A_339 : vector<16xf32>
          %min3A_347 = arith.minimumf %min3A_337, %min3A_339 : vector<16xf32>
          %max3A_348 = arith.maximumf %max3A_340, %max3A_342 : vector<16xf32>
          %min3A_349 = arith.minimumf %max3A_340, %max3A_342 : vector<16xf32>
          %max3A_350 = arith.maximumf %min3A_341, %min3A_343 : vector<16xf32>
          %min3A_351 = arith.minimumf %min3A_341, %min3A_343 : vector<16xf32>
          %add3A_352 = arith.constant 208 : i32
          %add3A_353 = vector.broadcast %add3A_352 : i32 to vector<16xi32>
          %add3A_354 = arith.addi %scan3A_212, %add3A_353 : vector<16xi32>
          scf.yield %add3A_354, %max3A_344, %min3A_345, %max3A_346, %min3A_347, %max3A_348, %min3A_349, %max3A_350, %min3A_351 : vector<16xi32>, vector<16xf32>, vector<16xf32>, vector<16xf32>, vector<16xf32>, vector<16xf32>, vector<16xf32>, vector<16xf32>, vector<16xf32>
        }
        %scan3A_167 = arith.constant 25 : i32
        %lt3A_168 = arith.constant 13 : i32
        %lt3A_169 = vector.broadcast %lt3A_168 : i32 to vector<16xi32>
        %lt3A_170 = arith.cmpi slt, %iota3A, %lt3A_169 : vector<16xi32>
        %mul3A_171 = arith.mulf %mul3A_158, %scan3A_166#1 : vector<16xf32>
        %add3A_172 = arith.addf %mul3A_171, %get3A_149 : vector<16xf32>
        %add3A_173 = arith.constant 104 : i32
        %add3A_174 = vector.broadcast %add3A_173 : i32 to vector<16xi32>
        %add3A_175 = arith.addi %mul3A_5, %add3A_174 : vector<16xi32>
        tpu.vector_store_idx %arg10[%add3A_86, %add3A_175], %add3A_172 masked %lt3A_170 : memref<8x208xf32, #tpu.memory_space<vmem>>[vector<16xi32>, vector<16xi32>], vector<16xf32>, vector<16xi1>
        %mul3A_176 = arith.mulf %mul3A_158, %scan3A_166#2 : vector<16xf32>
        %add3A_177 = arith.addf %mul3A_176, %get3A_149 : vector<16xf32>
        %add3A_178 = arith.constant 105 : i32
        %add3A_179 = vector.broadcast %add3A_178 : i32 to vector<16xi32>
        %add3A_180 = arith.addi %mul3A_5, %add3A_179 : vector<16xi32>
        tpu.vector_store_idx %arg10[%add3A_86, %add3A_180], %add3A_177 masked %lt3A_170 : memref<8x208xf32, #tpu.memory_space<vmem>>[vector<16xi32>, vector<16xi32>], vector<16xf32>, vector<16xi1>
        %mul3A_181 = arith.mulf %mul3A_158, %scan3A_166#3 : vector<16xf32>
        %add3A_182 = arith.addf %mul3A_181, %get3A_149 : vector<16xf32>
        %add3A_183 = arith.constant 106 : i32
        %add3A_184 = vector.broadcast %add3A_183 : i32 to vector<16xi32>
        %add3A_185 = arith.addi %mul3A_5, %add3A_184 : vector<16xi32>
        tpu.vector_store_idx %arg10[%add3A_86, %add3A_185], %add3A_182 masked %lt3A_170 : memref<8x208xf32, #tpu.memory_space<vmem>>[vector<16xi32>, vector<16xi32>], vector<16xf32>, vector<16xi1>
        %mul3A_186 = arith.mulf %mul3A_158, %scan3A_166#4 : vector<16xf32>
        %add3A_187 = arith.addf %mul3A_186, %get3A_149 : vector<16xf32>
        %add3A_188 = arith.constant 107 : i32
        %add3A_189 = vector.broadcast %add3A_188 : i32 to vector<16xi32>
        %add3A_190 = arith.addi %mul3A_5, %add3A_189 : vector<16xi32>
        tpu.vector_store_idx %arg10[%add3A_86, %add3A_190], %add3A_187 masked %lt3A_170 : memref<8x208xf32, #tpu.memory_space<vmem>>[vector<16xi32>, vector<16xi32>], vector<16xf32>, vector<16xi1>
        %mul3A_191 = arith.mulf %mul3A_158, %scan3A_166#5 : vector<16xf32>
        %add3A_192 = arith.addf %mul3A_191, %get3A_149 : vector<16xf32>
        %add3A_193 = arith.constant 108 : i32
        %add3A_194 = vector.broadcast %add3A_193 : i32 to vector<16xi32>
        %add3A_195 = arith.addi %mul3A_5, %add3A_194 : vector<16xi32>
        tpu.vector_store_idx %arg10[%add3A_86, %add3A_195], %add3A_192 masked %lt3A_170 : memref<8x208xf32, #tpu.memory_space<vmem>>[vector<16xi32>, vector<16xi32>], vector<16xf32>, vector<16xi1>
        %mul3A_196 = arith.mulf %mul3A_158, %scan3A_166#6 : vector<16xf32>
        %add3A_197 = arith.addf %mul3A_196, %get3A_149 : vector<16xf32>
        %add3A_198 = arith.constant 109 : i32
        %add3A_199 = vector.broadcast %add3A_198 : i32 to vector<16xi32>
        %add3A_200 = arith.addi %mul3A_5, %add3A_199 : vector<16xi32>
        tpu.vector_store_idx %arg10[%add3A_86, %add3A_200], %add3A_197 masked %lt3A_170 : memref<8x208xf32, #tpu.memory_space<vmem>>[vector<16xi32>, vector<16xi32>], vector<16xf32>, vector<16xi1>
        %mul3A_201 = arith.mulf %mul3A_158, %scan3A_166#7 : vector<16xf32>
        %add3A_202 = arith.addf %mul3A_201, %get3A_149 : vector<16xf32>
        %add3A_203 = arith.constant 110 : i32
        %add3A_204 = vector.broadcast %add3A_203 : i32 to vector<16xi32>
        %add3A_205 = arith.addi %mul3A_5, %add3A_204 : vector<16xi32>
        tpu.vector_store_idx %arg10[%add3A_86, %add3A_205], %add3A_202 masked %lt3A_170 : memref<8x208xf32, #tpu.memory_space<vmem>>[vector<16xi32>, vector<16xi32>], vector<16xf32>, vector<16xi1>
        %mul3A_206 = arith.mulf %mul3A_158, %scan3A_166#8 : vector<16xf32>
        %add3A_207 = arith.addf %mul3A_206, %get3A_149 : vector<16xf32>
        %add3A_208 = arith.constant 111 : i32
        %add3A_209 = vector.broadcast %add3A_208 : i32 to vector<16xi32>
        %add3A_210 = arith.addi %mul3A_5, %add3A_209 : vector<16xi32>
        tpu.vector_store_idx %arg10[%add3A_86, %add3A_210], %add3A_207 masked %lt3A_170 : memref<8x208xf32, #tpu.memory_space<vmem>>[vector<16xi32>, vector<16xi32>], vector<16xf32>, vector<16xi1>
      }
      %scan3A_73 = arith.constant 8 : i32
      %dma_start3A_74 = arith.constant 0 : i32
      %dma_start3A_75 = tpu.memref_slice %arg5[%add3A_67, %dma_start3A_74] : memref<4096x208xf32, #tpu.memory_space<hbm>> -> memref<8x208xf32, #tpu.memory_space<hbm>>
      %dma_start3A_76 = arith.constant 0 : i32
      %dma_start3A_77 = tpu.memref_slice %arg5[%add3A_67, %dma_start3A_76] : memref<4096x208xf32, #tpu.memory_space<hbm>> -> memref<8x208xf32, #tpu.memory_space<hbm>>
      tpu.enqueue_dma source(%arg10 : memref<8x208xf32, #tpu.memory_space<vmem>>) target(%dma_start3A_77 : memref<8x208xf32, #tpu.memory_space<hbm>>) target_semaphore(%arg13 : memref<!tpu.dma_semaphore, #tpu.memory_space<semaphore_mem>>)
      %dma_wait3A_78 = arith.constant 0 : i32
      %dma_wait3A_79 = tpu.memref_slice %arg5[%add3A_67, %dma_wait3A_78] : memref<4096x208xf32, #tpu.memory_space<hbm>> -> memref<8x208xf32, #tpu.memory_space<hbm>>
      %dma_wait3A_80 = arith.constant 0 : i32
      %dma_wait3A_81 = tpu.memref_slice %arg5[%add3A_67, %dma_wait3A_80] : memref<4096x208xf32, #tpu.memory_space<hbm>> -> memref<8x208xf32, #tpu.memory_space<hbm>>
      tpu.wait_dma2 semaphore(%arg13 : memref<!tpu.dma_semaphore, #tpu.memory_space<semaphore_mem>>) src(%arg10 : memref<8x208xf32, #tpu.memory_space<vmem>>) dst(%dma_wait3A_81 : memref<8x208xf32, #tpu.memory_space<hbm>>)
    }
    %scan3A_16 = arith.constant 8 : i32
    return
  }
}

</mosaic_0001>

<sc_bundles>
// kernel: _sc_topk.3.cloned.1.call-start
scs
__scs_entry_jumppad:
0x0: {  	(pc) =	sbr.rel $0x88, $3  }
0x1: {  	(tag) =	ssettag $0x0;
	lr =	simm.s32 $0x1  }
0x2: {  	[smem:$0x3F9E] =	sst lr;
	_ =	strace $0xD0000000  }
0x3: {  	_ = 	snop  }
0x4: {  	_ = 	snop  }
0x5: {  	_ = 	snop  }
0x6: {  	_ = 	snop  }
0x7: {  	_ = 	snop  }
__scs_overlays_trampoline_lowered:
0x8: {  	[smem:$0x3FAD] =	sst s0  }
0x9: {  	[smem:$0x3FAE] =	sst s1  }
0xa: {  	[smem:$0x3FAF] =	sst s2  }
0xb: {  	[smem:$0x3FB0] =	sst s3  }
0xc: {  	[smem:$0x3FB1] =	sst s4  }
0xd: {  	[smem:$0x3FB2] =	sst s5  }
0xe: {  	[smem:$0x3FB3] =	sst s6  }
0xf: {  	[smem:$0x3FB4] =	sst s7  }
0x10: {  	[smem:$0x3FB5] =	sst s8  }
0x11: {  	[smem:$0x3FB6] =	sst s9;
	s0 =	simm.s32 @!p0 $0x0  }
0x12: {  	s1 =	sld [smem:$0x3F9C];
	s0 =	simm.s32 @p0 $0x1  }
0x13: {  	[smem:$0x3FB7] =	sst s0;
	s0 =	simm.s32 @!p1 $0x0  }
0x14: {  	s2 =	sld [smem:$0x3F9B];
	s0 =	simm.s32 @p1 $0x1  }
0x15: {  	[smem:$0x3FB8] =	sst s0;
	s0 =	simm.s32 @!p2 $0x0  }
0x16: {  	s3 =	sld [smem:$0x3FDB];
	s0 =	simm.s32 @p2 $0x1  }
0x17: {  	s4 =	simm.s32 $0x1BF5;
	[smem:$0x3FBA] =	sst s0  }
0x18: {  	s0 =	sld [smem:$0x3F9D];
	_ =	swait.ge [sflag:s4], $0x0  }
0x19: {  	s7 =	sld [smem:$0x3F9E]  }
0x1a: {  	s8 =	sadd.s32 $0xFFFFE003, lr  }
0x1b: {  	s9 =	sadd.s32 $0xFFFFFEF7, lr;
	s5 =	simm.s32 $0xFFFFFFFF;
	p2 =	slt.u32 s8, $0xFFFFF086  }
0x1c: {  	p1 =	slt.u32 s9, $0xF7A;
	s5 =	simm.s32 @!p2 $0x0  }
0x1d: {  	s5 =	simm.s32 @p1 $0x1;
	p0 =	seq.s32 s7, s2  }
0x1e: {  	s7 =	smul.u32 @!p0 $0xF7A, s2;
	p2 =	seq.s32 @!p0 s5, $0x0  }
0x1f: {  	s9 =	smul.u32 $0xF7A, s1;
	s8 =	simm.s32 @!p0 $0x1BF5;
	p2 =	por !p2, p0  }
0x20: {  	[sflag:s8] =	ssyncset.s32 @!p0 $0xFFFFF086;
	s6 =	sadd.s32 @!p0 s3, s7;
	s7 =	simm.s32 @!p0 $0x108  }
0x21: {  	s3 =	sadd.s32 s3, s9;
	s6 =	sadd.s32 @!p0 $0x88, s6;
	s7 =	simm.s32 @p2 $0x1082  }
0x22: {  	[simem:s7], [sflag:s8] =	dma.local @!p0 [hbm:s6], $0xF7A  }
0x23: {  	s9 =	sor.u32 $0xD0000000, s2;
	s6 =	simm.s32 $0x108;
	_ =	swait.ge @!p0 [sflag:s8], $0x0  }
0x24: {  	s3 =	sadd.s32 $0x88, s3;
	s6 =	simm.s32 @!p1 $0x1082;
	[sflag:s4] =	ssyncset.s32 $0xFFFFF086  }
0x25: {  	[simem:s6], [sflag:s4] =	dma.local [hbm:s3], $0xF7A  }
0x26: {  	[smem:$0x3F9E] =	sst s1;
	(tag) =	ssettag s2;
	_ =	strace s9  }
0x27: {  	s1 =	sld [smem:$0x3FAE]  }
0x28: {  	s2 =	sld [smem:$0x3FAF]  }
0x29: {  	s4 =	sld [smem:$0x3FB1]  }
0x2a: {  	p0 =	seq.s32 s5, $0x0;
	s5 =	sld [smem:$0x3FB2]  }
0x2b: {  	s6 =	sld [smem:$0x3FB3]  }
0x2c: {  	s7 =	sld [smem:$0x3FB4]  }
0x2d: {  	s3 =	simm.s32 $0x108;
	s8 =	sld [smem:$0x3FB5]  }
0x2e: {  	s3 =	simm.s32 @!p0 $0x1082;
	s9 =	sld [smem:$0x3FB6]  }
0x2f: {  	lr =	sadd.s32 s0, s3;
	s0 =	sld [smem:$0x3FAD]  }
0x30: {  	s3 =	sld [smem:$0x3FB0]  }
0x31: {  	[smem:$0x3FB9] =	sst s10  }
0x32: {  	s10 =	sld [smem:$0x3FB7];
	_ =	sdelay $0x3  }
0x33: {  	p0 =	seq.s32 s10, $0x1;
	s10 =	sld [smem:$0x3FB9];
	_ =	sdelay $0x3  }
0x34: {  	[smem:$0x3FB9] =	sst s10  }
0x35: {  	s10 =	sld [smem:$0x3FB8];
	_ =	sdelay $0x3  }
0x36: {  	p1 =	seq.s32 s10, $0x1;
	s10 =	sld [smem:$0x3FB9];
	_ =	sdelay $0x3  }
0x37: {  	[smem:$0x3FB9] =	sst s10  }
0x38: {  	s10 =	sld [smem:$0x3FBA]  }
0x39: {  	_ = 	snop;
	(pc) =	sbr.ind lr, $3  }
0x3a: {  	_ = 	snop  }
0x3b: {  	_ = 	snop  }
0x3c: {  	p2 =	seq.s32 s10, $0x1;
	s10 =	sld [smem:$0x3FB9]  }
0x3d: {  	_ =	shalt  }
0x3e: {  	_ =	shalt  }
0x3f: {  	_ =	shalt  }
0x40: {  	_ =	shalt  }
0x41: {  	_ =	shalt  }
0x42: {  	_ =	shalt  }
0x43: {  	_ =	shalt  }
0x44: {  	_ =	shalt  }
0x45: {  	_ =	shalt  }
0x46: {  	_ =	shalt  }
0x47: {  	_ =	shalt  }
0x48: {  	_ =	shalt  }
0x49: {  	_ =	shalt  }
0x4a: {  	_ =	shalt  }
0x4b: {  	_ =	shalt  }
0x4c: {  	_ =	shalt  }
0x4d: {  	_ =	shalt  }
0x4e: {  	_ =	shalt  }
0x4f: {  	_ =	shalt  }
0x50: {  	_ =	shalt  }
0x51: {  	_ =	shalt  }
0x52: {  	_ =	shalt  }
0x53: {  	_ =	shalt  }
0x54: {  	_ =	shalt  }
0x55: {  	_ =	shalt  }
0x56: {  	_ =	shalt  }
0x57: {  	_ =	shalt  }
0x58: {  	_ =	shalt  }
0x59: {  	_ =	shalt  }
0x5a: {  	_ =	shalt  }
0x5b: {  	_ =	shalt  }
0x5c: {  	_ =	shalt  }
0x5d: {  	_ =	shalt  }
0x5e: {  	_ =	shalt  }
0x5f: {  	_ =	shalt  }
0x60: {  	_ =	shalt  }
0x61: {  	_ =	shalt  }
0x62: {  	_ =	shalt  }
0x63: {  	_ =	shalt  }
0x64: {  	_ =	shalt  }
0x65: {  	_ =	shalt  }
0x66: {  	_ =	shalt  }
0x67: {  	_ =	shalt  }
0x68: {  	_ =	shalt  }
0x69: {  	_ =	shalt  }
0x6a: {  	_ =	shalt  }
0x6b: {  	_ =	shalt  }
0x6c: {  	_ =	shalt  }
0x6d: {  	_ =	shalt  }
0x6e: {  	_ =	shalt  }
0x6f: {  	_ =	shalt  }
0x70: {  	_ =	shalt  }
0x71: {  	_ =	shalt  }
0x72: {  	_ =	shalt  }
0x73: {  	_ =	shalt  }
0x74: {  	_ =	shalt  }
0x75: {  	_ =	shalt  }
0x76: {  	_ =	shalt  }
0x77: {  	_ =	shalt  }
0x78: {  	_ =	shalt  }
0x79: {  	_ =	shalt  }
0x7a: {  	_ =	shalt  }
0x7b: {  	_ =	shalt  }
0x7c: {  	_ =	shalt  }
0x7d: {  	_ =	shalt  }
0x7e: {  	_ =	shalt  }
0x7f: {  	_ =	shalt  }
0x80: {  	_ =	shalt  }
0x81: {  	_ =	shalt  }
0x82: {  	_ =	shalt  }
0x83: {  	_ =	shalt  }
0x84: {  	_ =	shalt  }
0x85: {  	_ =	shalt  }
0x86: {  	_ =	shalt  }
0x87: {  	_ =	shalt  }
.Lfunc_end0:
.L_simem_size_0:
called_computation_lowered:
.L_overlay_start_0:
0x88: {  	s2 =	sld [smem:$0x3FD9]  }
0x89: {  	s3 =	sld [smem:$0x3FFE];
	_ =	sdelay $0x1  }
0x8a: {  	s1 =	srdreg.scid  }
0x8b: {  	s0 =	sand.u32 $0x1, s1  }
0x8c: {  	s17 =	sshll.u32 s0, $0xA;
	s2 =	sadd.s32 s3, s2  }
0x8d: {  	s2 =	sadd.s32 s2, s17  }
0x8e: {  	[smem:$0x3FC5] =	sst s2  }
0x8f: {  	_ = 	snop  }
0x90: {  	s2 =	sld [smem:$0x3FC8]  }
0x91: {  	s18 =	sld [smem:$0x3FC7];
	(tm) =	ssettm $0x1  }
0x92: {  	s4 =	sld [smem:$0x3FFB];
	_ =	sdelay $0x3  }
0x93: {  	_ =	strace s4  }
0x94: {  	s4 =	sld [smem:$0x3FFC];
	_ =	sdelay $0x3  }
0x95: {  	_ =	strace s4  }
0x96: {  	s4 =	sld [smem:$0x3FFD];
	_ =	sdelay $0x3  }
0x97: {  	_ =	strace s4  }
0x98: {  	_ =	strace $0x8FFFFFFF  }
0x99: {  	s19 =	sld [smem:$0x3FDB];
	_ =	sdelay $0x1  }
0x9a: {  	s5 =	simm.s32 $_scs_section_size  }
0x9b: {  	s6 =	simm.s32 $_size__tile_overlayer_lowered;
	s7 =	simm.s32 $_tile_overlayer_lowered  }
0x9c: {  	s22 =	simm.s32 $0x1BFF;
	s21 =	sshll.u32 s7, $0x1;
	s4 =	sadd.s32 s5, s19  }
0x9d: {  	s8 =	simm.s32 $0x0;
	s20 =	sshll.u32 s6, $0x1;
	s6 =	sadd.s32 s21, s4  }
0x9e: {  	[timem:s8], [sflag:s22] =	dma.local [hbm:s6], s20  }
0x9f: {  	_ =	swait.ge [sflag:s22], s20  }
0xa0: {  	s5 =	ssub.s32 $0x0, s20;
	[sflag:s22] =	ssyncset.done $0x0  }
0xa1: {  	[sflag:s22] =	ssyncadd.s32 s5;
	_ =	sdelay $0x1  }
0xa2: {  	s23 =	simm.s32 $0x1B8B  }
0xa3: {  	_ =	swait.ge [sflag:s23], $0x1  }
0xa4: {  	[sflag:s23] =	ssyncset.done $0x0  }
0xa5: {  	s25 =	simm.s32 $0x1B8E;
	s24 =	sld [smem:$0x3FFE];
	[sflag:s23] =	ssyncadd.s32 $0xFFFFFFFF  }
0xa6: {  	s26 =	simm.s32 $execute0_lowered;
	[smem:$0x3FD2] =	sst s25  }
0xa7: {  	s6 =	sshll.u32 s26, $0x1;
	_ =	strace $0x80000046;
	[dreg:$0x1] =	wrdreg $0xFFFFFFFF  }
0xa8: {  	s28 =	simm.s32 $_size_execute0_lowered;
	s4 =	sadd.s32 s4, s6;
	[dreg:$0x0] =	wrdreg $0x0  }
0xa9: {  	s6 =	sshll.u32 s28, $0x1;
	[dreg:$0x2] =	wrdreg s4  }
0xaa: {  	[dreg:$0x3] =	wrdreg s6  }
0xab: {  	[dreg:$0x4] =	wrdreg $0xC0  }
0xac: {  	_ =	task [dreg:s8], $0x5FFFF  }
0xad: {  	[dreg:$0x1] =	wrdreg $0xFFFFFFFF  }
0xae: {  	[dreg:$0x0] =	wrdreg $0x60  }
0xaf: {  	[dreg:$0x2] =	wrdreg s24  }
0xb0: {  	[dreg:$0x3] =	wrdreg s2  }
0xb1: {  	[dreg:$0x4] =	wrdreg s18  }
0xb2: {  	[dreg:$0x5] =	wrdreg $0x9  }
0xb3: {  	_ =	task.clear_ibuf [dreg:s8], $0x6FFFF;
	_ =	strace $0x90000046  }
0xb4: {  	s29 =	simm.s32 $0x9;
	_ =	strace $0x80000048  }
0xb5: {  	_ =	swait.ge [sflag:s29], $0x1  }
0xb6: {  	[sflag:s29] =	ssyncadd.s32 $0xFFFFFFFF  }
0xb7: {  	_ =	strace $0x90000048  }
0xb8: {  	_ =	sfence  }
0xb9: {  	s30 =	sld [smem:$0x0];
	_ =	sdelay $0x2  }
0xba: {  	s31 =	sshll.u32 s1, $0xD;
	s1 =	sshrl.u32 s1, $0x2  }
0xbb: {  	s3 =	sand.u32 $0x4000, s31;
	s1 =	sadd.s32 s1, s30  }
0xbc: {  	s0 =	sor.u32 s3, s0;
	s1 =	sshll.u32 s1, $0x11  }
0xbd: {  	s0 =	sor.u32 s1, s0  }
0xbe: {  	s0 =	sadd.s32 $0x8F2B, s0  }
0xbf: {  	[sflag:s0] =	ssyncadd.remote.s32 $0x1  }
0xc0: {  	_ =	sfence.sel $0xFFFF  }
0xc1: {  	[dreg:$0x0] =	wrdreg $0xFFFFFFFF;
	(pc) =	sbr.abs _section_cstart, $3  }
0xc2: {  	[dreg:$0x1] =	wrdreg $0xFFFFFFFF  }
0xc3: {  	_ =	task.clear_ibuf [dreg:s8], $0x2FFFF;
	_ =	strace $0x9FFFFFFF  }
0xc4: {  	(tm) =	ssettm $0x7FFFFFFF  }
0xc5: {  	_ =	shalt  }
tec
execute0_lowered:
.L_overlay_start_1:
0x0: {  	(tag) =	ssettag $0x1  }
0x1: {  	v0 =	vimm.s32 $0x787068  }
0x2: {  	v1 =	vimm.s32 $0x797169;
	vm12 =	vcmask $0xB00;
	vm11 =	vcmask $0xF0C  }
0x3: {  	vm10 =	vcmask $0x1310;
	vm9 =	vcmask $0x1714;
	vm8 =	vcmask $0x1B18  }
0x4: {  	vm7 =	vcmask $0x1F1C;
	vm6 =	vcmask $0x2320;
	vm5 =	vcmask $0x2724  }
0x5: {  	vm4 =	vcmask $0x2B28;
	vm3 =	vcmask $0x2F2C;
	vm2 =	vcmask $0x3330  }
0x6: {  	vm0 =	vcmask $0x3734;
	vm1 =	vcmask $0x3B38;
	v2 =	vimm.s32 $0x7A726A  }
0x7: {  	v3 =	vimm.s32 $0x7B736B;
	v4 =	vimm.s32 $0x7C746C;
	v55 =	vimm.s32 $0x7D756D  }
0x8: {  	v56 =	vimm.s32 $0x7E766E;
	v5 =	vimm.s32 $0x7F776F;
	v0 =	vunpack.c.0.s8.s32 v0  }
0x9: {  	v1 =	vunpack.c.0.s8.s32 v1;
	v2 =	vunpack.c.0.s8.s32 v2;
	v3 =	vunpack.c.0.s8.s32 v3  }
0xa: {  	v4 =	vunpack.c.0.s8.s32 v4;
	v7 =	vunpack.c.0.s8.s32 v56;
	v0 =	vnsel vm12, $0x460, v0  }
0xb: {  	v8 =	vunpack.c.0.s8.s32 v5;
	v1 =	vnsel vm12, $0x461, v1;
	v0 =	vsel vm11, $0x400, v0  }
0xc: {  	v52 =	vnsel vm12, $0x462, v2;
	v1 =	vsel vm11, $0x401, v1;
	v0 =	vsel vm10, $0x408, v0  }
0xd: {  	v53 =	vnsel vm12, $0x463, v3;
	v1 =	vsel vm10, $0x409, v1;
	v0 =	vsel vm9, $0x410, v0  }
0xe: {  	v54 =	vnsel vm12, $0x464, v4;
	v1 =	vsel vm9, $0x411, v1;
	v0 =	vsel vm8, $0x418, v0  }
0xf: {  	v3 =	vunpack.c.0.s8.s32 v55;
	v1 =	vsel vm8, $0x419, v1;
	v0 =	vsel vm7, $0x420, v0  }
0x10: {  	v60 =	vnsel vm12, $0x466, v7;
	v1 =	vsel vm7, $0x421, v1;
	v0 =	vsel vm6, $0x428, v0  }
0x11: {  	v61 =	vnsel vm12, $0x467, v8;
	v1 =	vsel vm6, $0x429, v1;
	v0 =	vsel vm5, $0x430, v0  }
0x12: {  	v2 =	vsel vm11, $0x404, v54;
	v1 =	vsel vm5, $0x431, v1;
	v0 =	vsel vm4, $0x438, v0  }
0x13: {  	v2 =	vsel vm10, $0x40C, v2;
	v1 =	vsel vm4, $0x439, v1;
	v0 =	vsel vm3, $0x440, v0  }
0x14: {  	v59 =	vnsel vm12, $0x465, v3;
	v1 =	vsel vm3, $0x441, v1;
	v0 =	vsel vm2, $0x448, v0  }
0x15: {  	v2 =	vsel vm9, $0x414, v2;
	v1 =	vsel vm2, $0x449, v1;
	v0 =	vsel vm0, $0x450, v0  }
0x16: {  	v2 =	vsel vm8, $0x41C, v2;
	v1 =	vsel vm0, $0x451, v1;
	v0 =	vsel vm1, $0x458, v0  }
0x17: {  	v51 =	vsel vm1, $0x459, v1;
	v1 =	vsel vm11, $0x403, v53;
	[tilespmem:$0x1FF80] =	vst v0;
	v0 =	vsel vm11, $0x402, v52  }
0x18: {  	v2 =	vsel vm7, $0x424, v2;
	v1 =	vsel vm10, $0x40B, v1;
	v0 =	vsel vm10, $0x40A, v0  }
0x19: {  	v2 =	vsel vm6, $0x42C, v2;
	v1 =	vsel vm9, $0x413, v1;
	v0 =	vsel vm9, $0x412, v0  }
0x1a: {  	v2 =	vsel vm5, $0x434, v2;
	v1 =	vsel vm8, $0x41B, v1;
	v0 =	vsel vm8, $0x41A, v0  }
0x1b: {  	v2 =	vsel vm4, $0x43C, v2;
	v1 =	vsel vm7, $0x423, v1;
	v0 =	vsel vm7, $0x422, v0  }
0x1c: {  	v2 =	vsel vm3, $0x444, v2;
	v1 =	vsel vm6, $0x42B, v1;
	v0 =	vsel vm6, $0x42A, v0  }
0x1d: {  	v2 =	vsel vm2, $0x44C, v2;
	v1 =	vsel vm5, $0x433, v1;
	v0 =	vsel vm5, $0x432, v0  }
0x1e: {  	v2 =	vsel vm0, $0x454, v2;
	v1 =	vsel vm4, $0x43B, v1;
	v0 =	vsel vm4, $0x43A, v0  }
0x1f: {  	v58 =	vsel vm1, $0x45C, v2;
	v1 =	vsel vm3, $0x443, v1;
	v0 =	vsel vm3, $0x442, v0  }
0x20: {  	v2 =	vsel vm11, $0x407, v61;
	v1 =	vsel vm2, $0x44B, v1;
	v0 =	vsel vm2, $0x44A, v0  }
0x21: {  	v2 =	vsel vm10, $0x40F, v2;
	v1 =	vsel vm0, $0x453, v1;
	v0 =	vsel vm0, $0x452, v0  }
0x22: {  	s6 =	rddreg [dreg:$0x0];
	v57 =	vsel vm1, $0x45B, v1;
	v1 =	vsel vm11, $0x406, v60;
	v0 =	vsel vm1, $0x45A, v0  }
0x23: {  	s0 =	rddreg [dreg:$0x1];
	v2 =	vsel vm9, $0x417, v2;
	v1 =	vsel vm10, $0x40E, v1;
	[tilespmem:$0x1FFA0] =	vst v0;
	v0 =	vsel vm11, $0x405, v59  }
0x24: {  	s2 =	rddreg [dreg:$0x2];
	v2 =	vsel vm8, $0x41F, v2;
	v1 =	vsel vm9, $0x416, v1;
	v0 =	vsel vm10, $0x40D, v0  }
0x25: {  	s4 =	srdreg.scid;
	s1 =	rddreg [dreg:$0x3];
	v2 =	vsel vm7, $0x427, v2;
	v1 =	vsel vm8, $0x41E, v1;
	v0 =	vsel vm9, $0x415, v0  }
0x26: {  	s3 =	stileid.u32;
	s13 =	simm.s32 $0x80;
	s14 =	simm.s32 $0x100;
	v2 =	vsel vm6, $0x42F, v2;
	v1 =	vsel vm7, $0x426, v1;
	v0 =	vsel vm8, $0x41D, v0  }
0x27: {  	s15 =	simm.s32 $0xA500;
	s16 =	simm.s32 $0x1;
	s17 =	simm.s32 $0x14900;
	v2 =	vsel vm5, $0x437, v2;
	v1 =	vsel vm6, $0x42E, v1;
	v0 =	vsel vm7, $0x425, v0  }
0x28: {  	s18 =	simm.s32 $0x3;
	s19 =	simm.s32 $0x2;
	s7 =	sand.u32 $0x1, s4;
	v2 =	vsel vm4, $0x43F, v2;
	v1 =	vsel vm5, $0x436, v1;
	v0 =	vsel vm6, $0x42D, v0  }
0x29: {  	s20 =	simm.s32 $0x0;
	s5 =	sshll.u32 s3, $0x8;
	s8 =	sshll.u32 s7, $0x7;
	v2 =	vsel vm3, $0x447, v2;
	v1 =	vsel vm4, $0x43E, v1;
	v0 =	vsel vm5, $0x435, v0  }
0x2a: {  	s4 =	simm.s32 $0x0;
	s7 =	ssub.s32 $0x2, s7;
	s11 =	sor.u32 s8, s5;
	[tilespmem:$0x1FF90] =	vst v51;
	v2 =	vsel vm2, $0x44F, v2;
	v1 =	vsel vm3, $0x446, v1;
	v0 =	vsel vm4, $0x43D, v0  }
0x2b: {  	s5 =	sadd.s32 $0x400, s6;
	s6 =	sadd.s32 $0x290400, s6;
	s8 =	sshrl.u32 s11, $0x3;
	[tilespmem:$0x1FFC0] =	vst v58;
	v2 =	vsel vm0, $0x457, v2;
	v1 =	vsel vm2, $0x44E, v1;
	v0 =	vsel vm3, $0x445, v0  }
0x2c: {  	[smem:$0x7FF] =	sst s4;
	s9 =	sshrl.u32 s7, $0x1;
	s8 =	smul.u32 $0x1480, s8;
	v63 =	vsel vm1, $0x45F, v2;
	[tilespmem:$0x1FFB0] =	vst v57;
	v1 =	vsel vm0, $0x456, v1;
	v0 =	vsel vm2, $0x44D, v0  }
0x2d: {  	s10 =	sshll.u32 s11, $0x5;
	s12 =	ssub.s32 s7, s9;
	_ =	strace $0x80000047;
	[tilespmem:$0x1FFF0] =	vst v63;
	v62 =	vsel vm1, $0x45E, v1;
	v0 =	vsel vm0, $0x455, v0  }
0x2e: {  	s9 =	sor.u32 $0x10, s11;
	s11 =	sor.u32 $0x8, s11;
	s7 =	sadd.s32 s5, s8;
	[tilespmem:$0x1FFE0] =	vst v62;
	v0 =	vsel vm1, $0x45D, v0  }
0x2f: {  	s8 =	sadd.s32 s6, s10;
	s10 =	smax.u32 s12, $0x1;
	s12 =	simm.s32 $0x4;
	[tilespmem:$0x1FFD0] =	vst v0  }
.LBB2_1:
0x30: {  	[tilespmem:s4], [sflag:$0x4] =	stream.linear.gather [hbm4b:s0+s4], $0x80, $0x38;
	[tilespmem:$0x15100] =	vst v63  }
0x31: {  	_ =	swait.ge [sflag:s12], $0x80  }
0x32: {  	[sflag:s12] =	ssyncset.done $0x0  }
0x33: {  	[sflag:s12] =	ssyncadd.s32 $0xFFFFFF80  }
0x34: {  	[tilespmem:s13], [sflag:$0x4] =	stream.linear.gather [hbm4b:s2+s4], $0x80, $0x38;
	[tilespmem:$0x15100] =	vst v63  }
0x35: {  	_ =	swait.ge [sflag:s12], $0x80  }
0x36: {  	[sflag:s12] =	ssyncset.done $0x0  }
0x37: {  	s21 =	simm.s32 $0x0;
	[sflag:s12] =	ssyncadd.s32 $0xFFFFFF80  }
0x38: {  	[tilespmem:s14], [sflag:$0x1] =	stream.linear.gather [hbm4b:s7+s4], $0xA400, $0x38;
	[tilespmem:$0x15100] =	vst v63  }
.LBB2_2:
0x39: {  	s23 =	sshll.u32 s21, $0x4  }
0x3a: {  	s22 =	sor.u32 s11, s23  }
0x3b: {  	s24 =	sshrl.u32 s22, $0x3  }
0x3c: {  	s24 =	smul.u32 $0x1480, s24;
	_ =	sdelay $0x1  }
0x3d: {  	s25 =	sadd.s32 s5, s24;
	s24 =	simm.s32 $0x0  }
0x3e: {  	[tilespmem:s15], [sflag:$0x2] =	stream.linear.gather [hbm4b:s25+s24], $0xA400, $0x38;
	[tilespmem:$0x15100] =	vst v63  }
0x3f: {  	_ =	swait.ge [sflag:s16], $0xA400  }
0x40: {  	[sflag:s16] =	ssyncset.done $0x0  }
0x41: {  	[sflag:s16] =	ssyncadd.s32 $0xFFFF5C00  }
.LBB2_3:
0x42: {  	v0 =	vmov s24;
	v1 =	vlaneseq.u32  }
0x43: {  	v4 =	vimm.f32 $1.000000000e+00;
	v36 =	vimm.f32 $-Inf;
	v0 =	vshll.u32 v0, $0x7  }
0x44: {  	v2 =	vadd.s32 $0xB6, v1;
	v11 =	vand.u32 $0x7F, v1;
	v10 =	vadd.s32 $0x82, v1  }
0x45: {  	v12 =	vadd.s32 $0x1A, v1;
	v13 =	vshll.u32 v1, $0x3;
	v16 =	vadd.s32 $0x34, v1  }
0x46: {  	v35 =	vbroadcast v0, $0x0;
	v0 =	vadd.s32 $0x4E, v1;
	v3 =	vand.u32 $0x7F, v2  }
0x47: {  	v14 =	vshll.u32 v12, $0x3;
	v15 =	vshll.u32 v10, $0x3;
	v12 =	vand.u32 $0x7F, v12  }
0x48: {  	v10 =	vand.u32 $0x7F, v10;
	v17 =	vshll.u32 v16, $0x3;
	v15 =	vand.u32 $0xFFFFFC00, v15  }
0x49: {  	v2 =	vshll.u32 v2, $0x3;
	v14 =	vand.u32 $0xFFFFFC00, v14;
	v10 =	vor.u32 v15, v10  }
0x4a: {  	v16 =	vand.u32 $0x7F, v16;
	v12 =	vor.u32 v14, v12;
	v15 =	vor.u32 v35, v10  }
0x4b: {  	v2 =	vand.u32 $0xFFFFFC00, v2;
	v14 =	vand.u32 $0xFFFFFC00, v17;
	v12 =	vor.u32 v35, v12;
	v10 =	vld [tilespmem:$0x0]  }
0x4c: {  	v2 =	vor.u32 v2, v3;
	v3 =	vand.u32 $0xFFFFFC00, v13;
	v17 =	vadd.s32 $0x9C, v1  }
0x4d: {  	v13 =	vor.u32 v14, v16;
	v2 =	vor.u32 v35, v2;
	v14 =	vshll.u32 v0, $0x3  }
0x4e: {  	v3 =	vor.u32 v3, v11;
	v0 =	vand.u32 $0x7F, v0;
	v11 =	vand.u32 $0xFFFFFC00, v14  }
0x4f: {  	v13 =	vor.u32 v35, v13;
	v3 =	vor.u32 v35, v3;
	v0 =	vor.u32 v11, v0;
	v14 =	vld.idx.msk [tilespmem:v15+s14+$0x0], $0xffff  }
0x50: {  	v0 =	vor.u32 v35, v0;
	v15 =	vld.idx.msk [tilespmem:v12+s14+$0x0], $0xffff;
	vm0 =	vlt.f32 v10, $0.0e+00;
	v12 =	vadd.s32 $0x68, v1  }
0x51: {  	v1 =	vadd.s32 $0xD0, v1;
	v11 =	vsel vm0, $0xBF800000, v4;
	v16 =	vshll.u32 v12, $0x3  }
0x52: {  	v18 =	vand.u32 $0x7F, v12;
	v12 =	vimm.f32 $-Inf;
	v20 =	vadd.s32 $0xB6, v1  }
0x53: {  	v24 =	vadd.s32 $0x9C, v1;
	v26 =	vadd.s32 $0x68, v1;
	v27 =	vadd.s32 $0x82, v1  }
0x54: {  	v2 =	vld.idx.msk [tilespmem:v2+s14+$0x0], $0xffff;
	v28 =	vadd.s32 $0x34, v1;
	v16 =	vand.u32 $0xFFFFFC00, v16;
	v22 =	vand.u32 $0x7F, v20  }
0x55: {  	v13 =	vld.idx.msk [tilespmem:v13+s14+$0x0], $0xffff;
	v30 =	vshll.u32 v27, $0x3;
	v27 =	vand.u32 $0x7F, v27;
	v33 =	vshll.u32 v26, $0x3  }
0x56: {  	v3 =	vld.idx.msk [tilespmem:v3+s14+$0x0], $0xffff;
	v26 =	vand.u32 $0x7F, v26;
	v20 =	vshll.u32 v20, $0x3;
	v16 =	vor.u32 v16, v18  }
0x57: {  	v18 =	vshll.u32 v17, $0x3;
	v17 =	vand.u32 $0x7F, v17;
	v0 =	vld.idx.msk [tilespmem:v0+s14+$0x0], $0xffff;
	v30 =	vand.u32 $0xFFFFFC00, v30  }
0x58: {  	v18 =	vand.u32 $0xFFFFFC00, v18;
	v16 =	vor.u32 v35, v16;
	v27 =	vor.u32 v30, v27  }
0x59: {  	v14 =	vmul.f32 v14, v11;
	v17 =	vor.u32 v18, v17;
	v2 =	vmul.f32 v2, v11  }
0x5a: {  	v15 =	vmul.f32 v15, v11;
	v18 =	vadd.s32 $0x4E, v1;
	v13 =	vmul.f32 v13, v11  }
0x5b: {  	v19 =	vshll.u32 v18, $0x3;
	v3 =	vmul.f32 v3, v11;
	v17 =	vor.u32 v35, v17  }
0x5c: {  	v18 =	vand.u32 $0x7F, v18;
	v19 =	vand.u32 $0xFFFFFC00, v19;
	v0 =	vmul.f32 v0, v11  }
0x5d: {  	v21 =	vmin.f32 v3, v15;
	v3 =	vmax.f32 v3, v15;
	v15 =	vand.u32 $0x7F, v1  }
0x5e: {  	v18 =	vor.u32 v19, v18;
	v19 =	vor.u32 v35, v27;
	v27 =	vshll.u32 v24, $0x3  }
0x5f: {  	v16 =	vld.idx.msk [tilespmem:v16+s14+$0x0], $0xffff;
	v23 =	vmin.f32 v13, v0;
	v0 =	vmax.f32 v13, v0;
	v13 =	vshll.u32 v1, $0x3  }
0x60: {  	v25 =	vmax.f32 v21, v23;
	v23 =	vmin.f32 v21, v23;
	v21 =	vadd.s32 $0x1A, v1  }
0x61: {  	v31 =	vmin.f32 v3, v0;
	v13 =	vand.u32 $0xFFFFFC00, v13;
	v0 =	vmax.f32 v3, v0  }
0x62: {  	v32 =	vld.idx.msk [tilespmem:v17+s14+$0x0], $0xffff;
	v29 =	vshll.u32 v21, $0x3;
	v13 =	vor.u32 v13, v15;
	v15 =	vshll.u32 v28, $0x3  }
0x63: {  	v21 =	vand.u32 $0x7F, v21;
	v29 =	vand.u32 $0xFFFFFC00, v29;
	v15 =	vand.u32 $0xFFFFFC00, v15  }
0x64: {  	v17 =	vor.u32 v35, v13;
	v13 =	vand.u32 $0x7F, v28;
	v16 =	vmul.f32 v16, v11  }
0x65: {  	v28 =	vand.u32 $0xFFFFFC00, v33;
	v21 =	vor.u32 v29, v21;
	v13 =	vor.u32 v15, v13  }
0x66: {  	v15 =	vld.idx.msk [tilespmem:v19+s14+$0x0], $0xffff;
	v29 =	vmax.f32 v16, v14;
	v14 =	vmin.f32 v16, v14;
	v16 =	vand.u32 $0xFFFFFC00, v20  }
0x67: {  	v33 =	vimm.f32 $-Inf;
	v16 =	vor.u32 v16, v22;
	v22 =	vmul.f32 v32, v11  }
0x68: {  	v63 =	vor.u32 v35, v21;
	v21 =	vor.u32 v28, v26;
	v16 =	vor.u32 v35, v16  }
0x69: {  	v34 =	vor.u32 v35, v13;
	v13 =	vmax.f32 v22, v2;
	v2 =	vmin.f32 v22, v2  }
0x6a: {  	v20 =	vor.u32 v35, v18;
	v3 =	vmax.f32 v29, v13;
	v18 =	vmax.f32 v14, v2  }
0x6b: {  	v13 =	vmin.f32 v29, v13;
	v2 =	vmin.f32 v14, v2;
	v14 =	vmul.f32 v15, v11  }
0x6c: {  	v28 =	vmin.f32 v0, v3;
	v26 =	vmax.f32 v0, v3;
	v0 =	vmin.f32 v31, v25  }
0x6d: {  	v3 =	vmax.f32 v31, v25;
	v19 =	vmin.f32 v13, v18;
	v13 =	vmax.f32 v13, v18;
	v16 =	vld.idx.msk [tilespmem:v16+s14+$0x0], $0xffff  }
0x6e: {  	v15 =	vadd.s32 $0xD0, v1;
	v31 =	vmax.f32 v0, v19;
	v25 =	vmin.f32 v3, v13  }
0x6f: {  	v30 =	vmax.f32 v3, v13;
	v3 =	vand.u32 $0xFFFFFC00, v27;
	v0 =	vmin.f32 v0, v19  }
0x70: {  	v32 =	vld.idx.msk [tilespmem:v63+s14+$0x0], $0xffff;
	v13 =	vand.u32 $0x7F, v24;
	v19 =	vmax.f32 v23, v2;
	v29 =	vmin.f32 v28, v31  }
0x71: {  	v34 =	vld.idx.msk [tilespmem:v34+s14+$0x0], $0xffff;
	v27 =	vor.u32 v3, v13;
	v3 =	vmin.f32 v23, v2;
	v24 =	vmax.f32 v25, v19  }
0x72: {  	v23 =	vimm.f32 $-Inf;
	v13 =	vmul.f32 v16, v11;
	v16 =	vmin.f32 v25, v19  }
0x73: {  	v2 =	vimm.f32 $-Inf;
	v19 =	vimm.f32 $-Inf;
	v22 =	vmax.f32 v0, v16  }
0x74: {  	s25 =	simm.s32 $0x17;
	v18 =	vld [tilespmem:$0x80];
	v1 =	vmin.f32 v0, v16;
	v0 =	vimm.f32 $-Inf;
	v16 =	vimm.f32 $-Inf  }
.LBB2_4:
0x75: {  	p0 =	sne.s32 s25, $0x1;
	s25 =	sadd.s32 $0xFFFFFFFF, s25;
	v32 =	vmul.f32 v32, v11;
	v25 =	vmax.f32 v28, v31;
	v3 =	vmax.f32 v12, v3  }
0x76: {  	v12 =	vmul.f32 v34, v11;
	v28 =	vmin.f32 v25, v30;
	v25 =	vmax.f32 v25, v30  }
0x77: {  	v22 =	vmax.f32 v19, v22;
	v28 =	vmax.f32 v23, v28;
	v23 =	vmax.f32 v36, v25  }
0x78: {  	v19 =	vmin.f32 v29, v24;
	v24 =	vmax.f32 v29, v24;
	v26 =	vmax.f32 v33, v26;
	v17 =	vld.idx.msk [tilespmem:v17+s14+$0x0], $0xffff  }
0x79: {  	v29 =	vadd.s32 $0x4E, v15;
	v30 =	vadd.s32 $0xB6, v15;
	v0 =	vmax.f32 v0, v24  }
0x7a: {  	v21 =	vor.u32 v35, v21;
	v31 =	vshll.u32 v29, $0x3;
	v2 =	vmax.f32 v2, v19;
	v20 =	vld.idx.msk [tilespmem:v20+s14+$0x0], $0xffff  }
0x7b: {  	v1 =	vmax.f32 v16, v1;
	v16 =	vmax.f32 v3, v0;
	v19 =	vmax.f32 v22, v23  }
0x7c: {  	v33 =	vmax.f32 v2, v26;
	v25 =	vmax.f32 v1, v28;
	v24 =	vmin.f32 v16, v19  }
0x7d: {  	v34 =	vmax.f32 v16, v19;
	v36 =	vmax.f32 v25, v33;
	v25 =	vmin.f32 v25, v33  }
0x7e: {  	v16 =	vmin.f32 v34, v36;
	v19 =	vmax.f32 v24, v25;
	v17 =	vmul.f32 v17, v11  }
0x7f: {  	v27 =	vor.u32 v35, v27;
	v2 =	vmin.f32 v2, v26;
	v1 =	vmin.f32 v1, v28;
	v21 =	vld.idx.msk [tilespmem:v21+s14+$0x0], $0xffff  }
0x80: {  	v26 =	vand.u32 $0xFFFFFC00, v31;
	v20 =	vmul.f32 v20, v11;
	v28 =	vmin.f32 v17, v32  }
0x81: {  	v29 =	vand.u32 $0x7F, v29;
	v31 =	vand.u32 $0x7F, v30;
	v32 =	vmax.f32 v17, v32  }
0x82: {  	v17 =	vand.u32 $0x7F, v15;
	v33 =	vmin.f32 v12, v20;
	v37 =	vmax.f32 v12, v20  }
0x83: {  	v38 =	vadd.s32 $0x9C, v15;
	v20 =	vshll.u32 v15, $0x3;
	v39 =	vmax.f32 v28, v33  }
0x84: {  	v40 =	vadd.s32 $0x68, v15;
	v41 =	vadd.s32 $0x82, v15;
	v42 =	vmin.f32 v28, v33;
	v27 =	vld.idx.msk [tilespmem:v27+s14+$0x0], $0xffff  }
0x85: {  	v28 =	vadd.s32 $0x1A, v15;
	v33 =	vadd.s32 $0x34, v15;
	v43 =	vmin.f32 v32, v37  }
0x86: {  	v45 =	vshll.u32 v41, $0x3;
	v12 =	vmax.f32 v34, v36;
	v44 =	vshll.u32 v28, $0x3  }
0x87: {  	v36 =	vand.u32 $0xFFFFFC00, v45;
	v34 =	vand.u32 $0xFFFFFC00, v44;
	v21 =	vmul.f32 v21, v11  }
0x88: {  	v41 =	vand.u32 $0x7F, v41;
	v20 =	vand.u32 $0xFFFFFC00, v20;
	v28 =	vand.u32 $0x7F, v28  }
0x89: {  	v17 =	vor.u32 v20, v17;
	v20 =	vshll.u32 v33, $0x3;
	v44 =	vshll.u32 v40, $0x3  }
0x8a: {  	v20 =	vand.u32 $0xFFFFFC00, v20;
	v28 =	vor.u32 v34, v28;
	v34 =	vmax.f32 v21, v14  }
0x8b: {  	v33 =	vand.u32 $0x7F, v33;
	v17 =	vor.u32 v35, v17;
	v44 =	vand.u32 $0xFFFFFC00, v44  }
0x8c: {  	v36 =	vor.u32 v36, v41;
	v40 =	vand.u32 $0x7F, v40;
	v14 =	vmin.f32 v21, v14  }
0x8d: {  	v30 =	vshll.u32 v30, $0x3;
	v26 =	vor.u32 v26, v29;
	v29 =	vor.u32 v35, v36  }
0x8e: {  	v36 =	vshll.u32 v38, $0x3;
	v28 =	vor.u32 v35, v28;
	v21 =	vor.u32 v44, v40  }
0x8f: {  	v30 =	vand.u32 $0xFFFFFC00, v30;
	v33 =	vor.u32 v20, v33;
	v27 =	vmul.f32 v27, v11  }
0x90: {  	v0 =	vmin.f32 v3, v0;
	v20 =	vor.u32 v35, v26;
	v26 =	vor.u32 v30, v31  }
0x91: {  	v3 =	vor.u32 v35, v33;
	v30 =	vor.u32 v35, v26;
	v33 =	vmin.f32 v1, v2  }
0x92: {  	v26 =	vmax.f32 v32, v37;
	v40 =	vld.idx.msk [tilespmem:v29+s14+$0x0], $0xffff;
	v29 =	vmin.f32 v27, v13;
	v13 =	vmax.f32 v27, v13  }
0x93: {  	v32 =	vld.idx.msk [tilespmem:v28+s14+$0x0], $0xffff;
	v27 =	vmax.f32 v14, v29;
	v31 =	vmin.f32 v34, v13;
	v13 =	vmax.f32 v34, v13  }
0x94: {  	v1 =	vmax.f32 v1, v2;
	v28 =	vmin.f32 v26, v13;
	v26 =	vmax.f32 v26, v13  }
0x95: {  	v2 =	vmin.f32 v43, v39;
	v13 =	vmax.f32 v43, v39;
	v37 =	vmin.f32 v31, v27  }
0x96: {  	v41 =	vmin.f32 v14, v29;
	v14 =	vmax.f32 v31, v27;
	v31 =	vmax.f32 v2, v37;
	v39 =	vld.idx.msk [tilespmem:v30+s14+$0x0], $0xffff  }
0x97: {  	v43 =	vmin.f32 v13, v14;
	v30 =	vmax.f32 v13, v14;
	v29 =	vmin.f32 v28, v31;
	v34 =	vld.idx.msk [tilespmem:v3+s14+$0x0], $0xffff  }
0x98: {  	v37 =	vmin.f32 v2, v37;
	v2 =	vmin.f32 v22, v23;
	v3 =	vand.u32 $0xFFFFFC00, v36  }
0x99: {  	v13 =	vand.u32 $0x7F, v38;
	v22 =	vmax.f32 v0, v2;
	v14 =	vmul.f32 v40, v11  }
.Ltmp0:
0x9a: {  	v2 =	vmin.f32 v0, v2;
	v0 =	vmax.f32 v22, v1;
	v27 =	vor.u32 v3, v13;
	(pc) =	sbr.rel @p0 .LBB2_4-.Ltmp0, $4  }
0x9b: {  	v38 =	vmax.f32 v42, v41;
	v23 =	vmin.f32 v22, v1;
	v36 =	vmax.f32 v2, v33  }
0x9c: {  	v1 =	vmin.f32 v43, v38;
	v33 =	vmin.f32 v2, v33;
	v13 =	vmul.f32 v39, v11  }
0x9d: {  	v2 =	vmin.f32 v24, v25;
	v3 =	vmin.f32 v42, v41;
	v22 =	vmax.f32 v37, v1  }
0x9e: {  	v15 =	vadd.s32 $0xD0, v15;
	v24 =	vmax.f32 v43, v38;
	v1 =	vmin.f32 v37, v1  }
0x9f: {  	v15 =	vmul.f32 v32, v11  }
0xa0: {  	v25 =	vmax.f32 v28, v31;
	v3 =	vmax.f32 v12, v3;
	v12 =	vmul.f32 v34, v11  }
0xa1: {  	v21 =	vor.u32 v35, v21;
	v19 =	vmax.f32 v19, v22;
	v27 =	vor.u32 v35, v27  }
0xa2: {  	v26 =	vmax.f32 v33, v26;
	v1 =	vmax.f32 v16, v1;
	v28 =	vmin.f32 v25, v30  }
0xa3: {  	v17 =	vld.idx.msk [tilespmem:v17+s14+$0x0], $0xffff;
	v4 =	vlaneseq.u32;
	v25 =	vmax.f32 v25, v30;
	v22 =	vmax.f32 v23, v28  }
0xa4: {  	v20 =	vld.idx.msk [tilespmem:v20+s14+$0x0], $0xffff;
	v23 =	vmax.f32 v36, v25;
	v25 =	vmax.f32 v29, v24;
	v24 =	vmin.f32 v29, v24  }
0xa5: {  	v0 =	vmax.f32 v0, v25;
	v2 =	vmax.f32 v2, v24;
	v24 =	vmax.f32 v19, v23  }
0xa6: {  	v25 =	vmax.f32 v1, v22;
	v1 =	vmin.f32 v1, v22;
	v16 =	vmax.f32 v3, v0  }
0xa7: {  	v28 =	vmax.f32 v2, v26;
	v2 =	vmin.f32 v2, v26;
	v0 =	vmin.f32 v3, v0;
	v21 =	vld.idx.msk [tilespmem:v21+s14+$0x0], $0xffff  }
0xa8: {  	v29 =	vmin.f32 v16, v24;
	v16 =	vmax.f32 v16, v24;
	v24 =	vmax.f32 v25, v28;
	v27 =	vld.idx.msk [tilespmem:v27+s14+$0x0], $0xffff  }
0xa9: {  	v25 =	vmin.f32 v25, v28;
	v17 =	vmul.f32 v17, v11;
	v20 =	vmul.f32 v20, v11  }
0xaa: {  	v3 =	vmin.f32 v1, v2;
	v1 =	vmax.f32 v1, v2;
	v28 =	vmin.f32 v16, v24  }
0xab: {  	v30 =	vmax.f32 v29, v25;
	v22 =	vmin.f32 v17, v15;
	v15 =	vmax.f32 v17, v15  }
0xac: {  	v17 =	vmin.f32 v12, v20;
	v12 =	vmax.f32 v12, v20;
	v20 =	vmul.f32 v21, v11  }
0xad: {  	v16 =	vmax.f32 v16, v24;
	v21 =	vmax.f32 v22, v17;
	v26 =	vmul.f32 v27, v11  }
0xae: {  	v17 =	vmin.f32 v22, v17;
	v22 =	vmin.f32 v15, v12;
	v24 =	vmax.f32 v20, v14  }
0xaf: {  	v14 =	vmin.f32 v20, v14;
	v20 =	vmin.f32 v26, v13;
	v13 =	vmax.f32 v26, v13  }
0xb0: {  	v12 =	vmax.f32 v15, v12;
	v26 =	vmin.f32 v24, v13;
	v13 =	vmax.f32 v24, v13  }
0xb1: {  	v2 =	vmin.f32 v22, v21;
	v15 =	vmax.f32 v14, v20;
	v24 =	vmin.f32 v12, v13  }
0xb2: {  	v12 =	vmax.f32 v12, v13;
	v13 =	vmax.f32 v22, v21;
	v21 =	vmin.f32 v26, v15  }
0xb3: {  	v14 =	vmin.f32 v14, v20;
	v15 =	vmax.f32 v26, v15;
	v20 =	vmax.f32 v2, v21  }
0xb4: {  	v22 =	vmin.f32 v13, v15;
	v13 =	vmax.f32 v13, v15;
	v15 =	vmin.f32 v19, v23  }
0xb5: {  	v2 =	vmin.f32 v2, v21;
	v23 =	vmax.f32 v17, v14;
	v19 =	vmin.f32 v24, v20  }
0xb6: {  	v21 =	vmax.f32 v0, v15;
	v0 =	vmin.f32 v0, v15;
	v26 =	vmin.f32 v22, v23  }
0xb7: {  	v22 =	vmax.f32 v22, v23;
	v20 =	vmax.f32 v24, v20;
	v23 =	vmul.f32 v11, v10  }
0xb8: {  	v10 =	vmul.u32 $0x8, v4;
	v15 =	vmax.f32 v21, v1;
	v1 =	vmin.f32 v21, v1  }
0xb9: {  	v21 =	vmax.f32 v0, v3;
	v0 =	vmin.f32 v0, v3;
	v3 =	vmin.f32 v17, v14  }
0xba: {  	v14 =	vmax.f32 v2, v26;
	v17 =	vmin.f32 v29, v25;
	v2 =	vmin.f32 v2, v26  }
0xbb: {  	v3 =	vmax.f32 v16, v3;
	v16 =	vmin.f32 v20, v13;
	v13 =	vmax.f32 v20, v13  }
0xbc: {  	v14 =	vmax.f32 v30, v14;
	v0 =	vmax.f32 v0, v12;
	v2 =	vmax.f32 v28, v2  }
0xbd: {  	v1 =	vmax.f32 v1, v16;
	v16 =	vmin.f32 v19, v22;
	v19 =	vmax.f32 v19, v22  }
0xbe: {  	v5 =	vor.u32 $0x1, v10;
	v13 =	vmax.f32 v21, v13;
	v12 =	vmax.f32 v15, v19  }
0xbf: {  	v15 =	vmax.f32 v17, v16;
	v17 =	vmax.f32 v14, v13;
	v19 =	vmax.f32 v2, v1  }
0xc0: {  	v1 =	vmin.f32 v2, v1;
	v16 =	vmax.f32 v3, v12;
	v20 =	vmax.f32 v15, v0  }
0xc1: {  	v0 =	vmin.f32 v15, v0;
	v2 =	vmin.f32 v3, v12;
	v3 =	vmin.f32 v14, v13  }
0xc2: {  	v15 =	vor.u32 v10, v35;
	v21 =	vmin.f32 v16, v17;
	v16 =	vmax.f32 v16, v17  }
0xc3: {  	v17 =	vmax.f32 v19, v20;
	v19 =	vmin.f32 v19, v20;
	v13 =	vmax.f32 v1, v0  }
0xc4: {  	v14 =	vmax.f32 v2, v3;
	v0 =	vmin.f32 v1, v0;
	v1 =	vmin.f32 v2, v3  }
0xc5: {  	v20 =	vmin.f32 v16, v17;
	v22 =	vmax.f32 v21, v19;
	v12 =	vmax.f32 v16, v17  }
0xc6: {  	v2 =	vmax.f32 v14, v13;
	v3 =	vmin.f32 v14, v13;
	v24 =	vmax.f32 v1, v0  }
0xc7: {  	v0 =	vmin.f32 v1, v0;
	v1 =	vmin.f32 v21, v19;
	v16 =	vor.u32 v5, v35  }
0xc8: {  	v13 =	vmul.f32 v12, v23;
	v14 =	vmul.f32 v20, v23;
	v12 =	vor.u32 $0x2, v10  }
0xc9: {  	v19 =	vmul.f32 v22, v23;
	v1 =	vmul.f32 v1, v23;
	v20 =	vor.u32 v12, v35  }
0xca: {  	v2 =	vmul.f32 v2, v23;
	v17 =	vadd.f32 v13, v18;
	v13 =	vor.u32 $0x3, v10  }
0xcb: {  	v21 =	vadd.f32 v14, v18;
	v14 =	vor.u32 $0x4, v10;
	v22 =	vor.u32 v13, v35  }
0xcc: {  	v19 =	vadd.f32 v19, v18;
	v25 =	vor.u32 v14, v35;
	[tilespmem:v15+s17+$0x0] =	vst.idx.msk $0xffff, v17;
	v15 =	vor.u32 $0x5, v10  }
0xcd: {  	v3 =	vmul.f32 v3, v23;
	[tilespmem:v16+s17+$0x0] =	vst.idx.msk $0xffff, v21;
	v21 =	vor.u32 v15, v35;
	v16 =	vor.u32 $0x6, v10  }
0xce: {  	v1 =	vadd.f32 v1, v18;
	v17 =	vor.u32 $0x7, v10;
	[tilespmem:v20+s17+$0x0] =	vst.idx.msk $0xffff, v19;
	v19 =	vor.u32 v16, v35  }
0xcf: {  	v2 =	vadd.f32 v2, v18;
	v20 =	vmul.f32 v24, v23;
	v24 =	vor.u32 v17, v35  }
0xd0: {  	v0 =	vmul.f32 v0, v23;
	[tilespmem:v22+s17+$0x0] =	vst.idx.msk $0xffff, v1;
	v1 =	vadd.f32 v3, v18  }
0xd1: {  	[tilespmem:v25+s17+$0x0] =	vst.idx.msk $0xffff, v2;
	v2 =	vadd.f32 v20, v18  }
0xd2: {  	v0 =	vadd.f32 v0, v18;
	[tilespmem:v21+s17+$0x0] =	vst.idx.msk $0xffff, v1  }
0xd3: {  	[tilespmem:v19+s17+$0x0] =	vst.idx.msk $0xffff, v2  }
0xd4: {  	[tilespmem:v24+s17+$0x0] =	vst.idx.msk $0xffff, v0  }
0xd5: {  	v36 =	vld [tilespmem:$0xD];
	_ =	sdelay $0x3  }
0xd6: {  	v40 =	vimm.f32 $-Inf;
	v54 =	vimm.f32 $-Inf  }
0xd7: {  	v1 =	vimm.f32 $1.000000000e+00;
	v0 =	vadd.s32 $0xD, v4;
	vm0 =	vlt.f32 v36, $0.0e+00  }
0xd8: {  	v55 =	vimm.f32 $-Inf;
	v37 =	vsel vm0, $0xBF800000, v1;
	v1 =	vadd.s32 $0x1A, v0  }
0xd9: {  	v51 =	vimm.f32 $-Inf;
	v2 =	vadd.s32 $0x82, v0;
	vm13 =	vlt.s32 v1, $0x144F  }
0xda: {  	v3 =	vadd.s32 $0x9C, v0;
	v18 =	vadd.s32 $0x34, v0;
	v1 =	vnsel vm13, $0x144F, v1  }
0xdb: {  	vm1 =	vlt.s32 v18, $0x144F;
	vm15 =	vlt.s32 v3, $0x144F;
	v19 =	vshll.u32 v1, $0x3  }
0xdc: {  	v20 =	vnsel vm1, $0x144F, v18;
	v1 =	vand.u32 $0x7F, v1;
	v18 =	vand.u32 $0xFFFFFC00, v19  }
0xdd: {  	v3 =	vnsel vm15, $0x144F, v3;
	v19 =	vshll.u32 v20, $0x3;
	v18 =	vor.u32 v18, v1  }
0xde: {  	v1 =	vand.u32 $0xFFFFFC00, v19;
	v19 =	vand.u32 $0x7F, v20;
	v21 =	vor.u32 v35, v18  }
0xdf: {  	v23 =	vadd.s32 $0xB6, v0;
	v20 =	vshll.u32 v3, $0x3;
	v19 =	vor.u32 v1, v19  }
0xe0: {  	v3 =	vand.u32 $0x7F, v3;
	v20 =	vand.u32 $0xFFFFFC00, v20;
	v22 =	vor.u32 v35, v19  }
0xe1: {  	vm4 =	vlt.s32 v0, $0x144F;
	v26 =	vadd.s32 $0x4E, v0;
	v20 =	vor.u32 v20, v3  }
0xe2: {  	v27 =	vadd.s32 $0x68, v0;
	vm14 =	vlt.s32 v2, $0x144F;
	v3 =	vor.u32 v35, v20  }
0xe3: {  	v24 =	vnsel vm4, $0x144F, v0;
	vm5 =	vlt.s32 v26, $0x144F;
	v2 =	vnsel vm14, $0x144F, v2;
	v25 =	vld.idx.msk [tilespmem:v21+s14+$0x0], $0xffff  }
0xe4: {  	vm6 =	vlt.s32 v27, $0x144F;
	vm7 =	vlt.s32 v23, $0x144F;
	v1 =	vshll.u32 v2, $0x3  }
0xe5: {  	v2 =	vand.u32 $0x7F, v2;
	v1 =	vand.u32 $0xFFFFFC00, v1;
	v21 =	vshll.u32 v24, $0x3;
	v29 =	vld.idx.msk [tilespmem:v22+s14+$0x0], $0xffff  }
0xe6: {  	v28 =	vand.u32 $0xFFFFFC00, v21;
	v22 =	vand.u32 $0x7F, v24;
	v24 =	vnsel vm6, $0x144F, v27  }
0xe7: {  	v21 =	vor.u32 v1, v2;
	v1 =	vnsel vm5, $0x144F, v26;
	v26 =	vnsel vm7, $0x144F, v23;
	v2 =	vld.idx.msk [tilespmem:v3+s14+$0x0], $0xffff  }
0xe8: {  	v22 =	vor.u32 v28, v22;
	v3 =	vmul.f32 v25, v37;
	v25 =	vshll.u32 v1, $0x3  }
0xe9: {  	v27 =	vor.u32 v35, v22;
	v1 =	vand.u32 $0x7F, v1;
	v25 =	vand.u32 $0xFFFFFC00, v25  }
0xea: {  	v62 =	vmul.f32 v29, v37;
	v23 =	vor.u32 v25, v1;
	v1 =	vshll.u32 v24, $0x3  }
0xeb: {  	v24 =	vand.u32 $0x7F, v24;
	v25 =	vand.u32 $0x7F, v26;
	v1 =	vand.u32 $0xFFFFFC00, v1  }
0xec: {  	v39 =	vmul.f32 v2, v37;
	v30 =	vor.u32 v35, v23;
	v24 =	vor.u32 v1, v24  }
0xed: {  	v1 =	vshll.u32 v26, $0x3;
	v26 =	vadd.s32 $0xD0, v0;
	v7 =	vor.u32 v35, v24  }
0xee: {  	v1 =	vand.u32 $0xFFFFFC00, v1;
	v2 =	vadd.s32 $0x82, v26;
	v28 =	vadd.s32 $0x9C, v26  }
0xef: {  	v38 =	vld.idx.msk [tilespmem:v27+s14+$0x0], $0xffff;
	v29 =	vadd.s32 $0x1A, v26;
	v27 =	vadd.s32 $0x34, v26;
	v53 =	vadd.s32 $0xB6, v26  }
0xf0: {  	vm12 =	vlt.s32 v26, $0x144F;
	v63 =	vadd.s32 $0x4E, v26;
	v46 =	vadd.s32 $0x68, v26  }
0xf1: {  	v25 =	vor.u32 v1, v25;
	v1 =	vor.u32 v35, v21;
	vm8 =	vlt.s32 v2, $0x144F  }
0xf2: {  	vm9 =	vlt.s32 v28, $0x144F;
	vm10 =	vlt.s32 v29, $0x144F;
	vm11 =	vlt.s32 v27, $0x144F  }
0xf3: {  	vm13 =	vlt.s32 v63, $0x144F;
	vm14 =	vlt.s32 v46, $0x144F;
	vm15 =	vlt.s32 v53, $0x144F  }
0xf4: {  	v0 =	vor.u32 v35, v25;
	v2 =	vnsel vm8, $0x144F, v2;
	v28 =	vnsel vm9, $0x144F, v28  }
0xf5: {  	v29 =	vnsel vm10, $0x144F, v29;
	v42 =	vnsel vm11, $0x144F, v27;
	v46 =	vnsel vm14, $0x144F, v46  }
0xf6: {  	v57 =	vnsel vm15, $0x144F, v53;
	v53 =	vimm.f32 $-Inf;
	v31 =	vshll.u32 v2, $0x3  }
0xf7: {  	v52 =	vshll.u32 v28, $0x3;
	v41 =	vshll.u32 v29, $0x3;
	v29 =	vand.u32 $0x7F, v29  }
0xf8: {  	v28 =	vand.u32 $0x7F, v28;
	v38 =	vmul.f32 v38, v37;
	v2 =	vand.u32 $0x7F, v2  }
0xf9: {  	v30 =	vld.idx.msk [tilespmem:v30+s14+$0x0], $0xffff;
	v31 =	vand.u32 $0xFFFFFC00, v31;
	v41 =	vand.u32 $0xFFFFFC00, v41;
	v34 =	vand.u32 $0xFFFFFC00, v52  }
0xfa: {  	v52 =	vimm.f32 $-Inf;
	v27 =	vor.u32 v41, v29;
	v29 =	vshll.u32 v42, $0x3  }
0xfb: {  	v42 =	vand.u32 $0x7F, v42;
	v28 =	vor.u32 v34, v28;
	v44 =	vmax.f32 v38, v3  }
0xfc: {  	v6 =	vld.idx.msk [tilespmem:v7+s14+$0x0], $0xffff;
	v43 =	vor.u32 v35, v27;
	v29 =	vand.u32 $0xFFFFFC00, v29;
	v34 =	vor.u32 v35, v28  }
0xfd: {  	v1 =	vld.idx.msk [tilespmem:v1+s14+$0x0], $0xffff;
	v29 =	vor.u32 v29, v42;
	v42 =	vmin.f32 v38, v3;
	v3 =	vnsel vm12, $0x144F, v26  }
0xfe: {  	v45 =	vor.u32 v35, v29;
	v47 =	vshll.u32 v3, $0x3;
	v48 =	vmul.f32 v30, v37  }
0xff: {  	v3 =	vand.u32 $0x7F, v3;
	v30 =	vor.u32 v31, v2;
	v47 =	vand.u32 $0xFFFFFC00, v47  }
0x100: {  	v50 =	vor.u32 v35, v30;
	v31 =	vor.u32 v47, v3;
	v58 =	vmin.f32 v62, v48  }
0x101: {  	v59 =	vmax.f32 v62, v48;
	v62 =	vshll.u32 v46, $0x3;
	v38 =	vmul.f32 v6, v37  }
0x102: {  	v0 =	vld.idx.msk [tilespmem:v0+s14+$0x0], $0xffff;
	v48 =	vimm.f32 $-Inf;
	v2 =	vmul.f32 v1, v37;
	v1 =	vnsel vm13, $0x144F, v63  }
0x103: {  	v43 =	vld.idx.msk [tilespmem:v43+s14+$0x0], $0xffff;
	v7 =	vor.u32 v35, v31;
	v60 =	vmin.f32 v44, v59;
	v3 =	vshll.u32 v1, $0x3  }
0x104: {  	v49 =	vld.idx.msk [tilespmem:v34+s14+$0x0], $0xffff;
	v61 =	vmax.f32 v42, v58;
	v1 =	vand.u32 $0x7F, v1;
	v3 =	vand.u32 $0xFFFFFC00, v3  }
0x105: {  	v32 =	vor.u32 v3, v1;
	v1 =	vand.u32 $0x7F, v46;
	v3 =	vand.u32 $0xFFFFFC00, v62  }
0x106: {  	v63 =	vand.u32 $0x7F, v57;
	v45 =	vld.idx.msk [tilespmem:v45+s14+$0x0], $0xffff;
	v46 =	vadd.s32 $0xD0, v26;
	v33 =	vor.u32 v3, v1  }
0x107: {  	v1 =	vshll.u32 v57, $0x3;
	v47 =	vor.u32 v35, v32;
	v3 =	vmul.f32 v0, v37  }
0x108: {  	v56 =	vmul.f32 v43, v37;
	v43 =	vor.u32 v35, v33;
	v1 =	vand.u32 $0xFFFFFC00, v1  }
0x109: {  	v57 =	vmul.f32 v49, v37;
	v49 =	vimm.f32 $-Inf;
	v34 =	vor.u32 v1, v63  }
0x10a: {  	[tilespmem:$0x1FF70] =	vst v5;
	v1 =	vmin.f32 v38, v2;
	v63 =	vmax.f32 v38, v2;
	v0 =	vmin.f32 v39, v3;
	v38 =	vld [tilespmem:$0x8D]  }
0x10b: {  	s25 =	simm.s32 $0x17;
	v2 =	vld.idx.msk [tilespmem:v7+s14+$0x0], $0xffff;
	v41 =	vmul.f32 v45, v37;
	v45 =	vor.u32 v35, v34;
	v62 =	vmin.f32 v1, v0  }
.LBB2_6:
0x10c: {  	v4 =	vadd.s32 $0x82, v46;
	v5 =	vadd.s32 $0x9C, v46;
	p0 =	sne.s32 s25, $0x1;
	s25 =	sadd.s32 $0xFFFFFFFF, s25;
	v3 =	vmax.f32 v39, v3;
	v39 =	vmovc v57  }
0x10d: {  	v6 =	vmax.f32 v60, v61;
	vm0 =	vlt.s32 v4, $0x144F;
	vm1 =	vlt.s32 v5, $0x144F  }
0x10e: {  	v60 =	vmin.f32 v60, v61;
	v4 =	vnsel vm0, $0x144F, v4;
	v5 =	vnsel vm1, $0x144F, v5  }
0x10f: {  	v59 =	vmax.f32 v44, v59;
	v57 =	vshll.u32 v4, $0x3;
	v61 =	vshll.u32 v5, $0x3  }
0x110: {  	v5 =	vand.u32 $0x7F, v5;
	v7 =	vand.u32 $0xFFFFFC00, v57;
	v57 =	vadd.s32 $0xB6, v46  }
0x111: {  	v58 =	vmin.f32 v42, v58;
	v4 =	vand.u32 $0x7F, v4;
	v44 =	vand.u32 $0xFFFFFC00, v61  }
0x112: {  	v2 =	vmul.f32 v2, v37;
	v8 =	vmin.f32 v58, v62;
	v61 =	vmax.f32 v63, v3  }
0x113: {  	v0 =	vmax.f32 v1, v0;
	v1 =	vmin.f32 v63, v3;
	v5 =	vor.u32 v44, v5  }
0x114: {  	v63 =	vmin.f32 v59, v61;
	v3 =	vor.u32 v35, v5;
	v5 =	vmax.f32 v1, v0  }
0x115: {  	v42 =	vmin.f32 v2, v56;
	v0 =	vmin.f32 v1, v0;
	v1 =	vmax.f32 v58, v62  }
0x116: {  	v44 =	vmax.f32 v2, v56;
	v2 =	vmax.f32 v60, v0;
	v56 =	vmin.f32 v6, v5  }
0x117: {  	v58 =	vmax.f32 v56, v1;
	v62 =	vmin.f32 v63, v2;
	v2 =	vmax.f32 v63, v2  }
0x118: {  	v59 =	vmax.f32 v59, v61;
	v61 =	vmin.f32 v62, v58;
	v58 =	vmax.f32 v62, v58  }
0x119: {  	vm0 =	vlt.s32 v46, $0x144F;
	v54 =	vmax.f32 v54, v59;
	v40 =	vmax.f32 v40, v61  }
0x11a: {  	v8 =	vmax.f32 v52, v8;
	v59 =	vnsel vm0, $0x144F, v46;
	v52 =	vmax.f32 v55, v58  }
0x11b: {  	v0 =	vmin.f32 v60, v0;
	v55 =	vmax.f32 v8, v52;
	v58 =	vmax.f32 v40, v54  }
0x11c: {  	v60 =	vshll.u32 v59, $0x3;
	v1 =	vmin.f32 v56, v1;
	v8 =	vmin.f32 v8, v52  }
0x11d: {  	v52 =	vmin.f32 v0, v1;
	v0 =	vmax.f32 v0, v1;
	v1 =	vmin.f32 v40, v54  }
0x11e: {  	v5 =	vmax.f32 v6, v5;
	v6 =	vmax.f32 v51, v52;
	v0 =	vmax.f32 v53, v0  }
0x11f: {  	v56 =	vadd.s32 $0x4E, v46;
	v40 =	vadd.s32 $0x68, v46;
	v51 =	vmin.f32 v2, v5  }
0x120: {  	v52 =	vadd.s32 $0x1A, v46;
	v53 =	vadd.s32 $0x34, v46;
	v2 =	vmax.f32 v2, v5  }
0x121: {  	vm0 =	vlt.s32 v52, $0x144F;
	vm1 =	vlt.s32 v53, $0x144F;
	v2 =	vmax.f32 v49, v2  }
0x122: {  	v5 =	vnsel vm0, $0x144F, v52;
	v49 =	vnsel vm1, $0x144F, v53;
	v53 =	vmax.f32 v0, v2  }
0x123: {  	v52 =	vshll.u32 v5, $0x3;
	v54 =	vshll.u32 v49, $0x3;
	v61 =	vmax.f32 v55, v53  }
0x124: {  	v48 =	vmax.f32 v48, v51;
	v5 =	vand.u32 $0x7F, v5;
	v52 =	vand.u32 $0xFFFFFC00, v52  }
0x125: {  	v51 =	vand.u32 $0xFFFFFC00, v54;
	v54 =	vmax.f32 v6, v48;
	v5 =	vor.u32 v52, v5  }
0x126: {  	v49 =	vand.u32 $0x7F, v49;
	v62 =	vmax.f32 v54, v58;
	v5 =	vor.u32 v35, v5  }
0x127: {  	vm0 =	vlt.s32 v56, $0x144F;
	v49 =	vor.u32 v51, v49;
	v52 =	vmax.f32 v61, v62  }
0x128: {  	v60 =	vand.u32 $0xFFFFFC00, v60;
	v6 =	vmin.f32 v6, v48;
	v63 =	vor.u32 v35, v49;
	v47 =	vld.idx.msk [tilespmem:v47+s14+$0x0], $0xffff  }
0x129: {  	v0 =	vmin.f32 v0, v2;
	v2 =	vmin.f32 v54, v58;
	v48 =	vmin.f32 v6, v1;
	v50 =	vld.idx.msk [tilespmem:v50+s14+$0x0], $0xffff  }
0x12a: {  	vm1 =	vlt.s32 v40, $0x144F;
	v58 =	vmax.f32 v8, v0;
	v0 =	vmin.f32 v8, v0  }
0x12b: {  	v9 =	vnsel vm1, $0x144F, v40;
	v8 =	vand.u32 $0x7F, v59;
	v54 =	vmin.f32 v0, v48;
	v5 =	vld.idx.msk [tilespmem:v5+s14+$0x0], $0xffff  }
0x12c: {  	v1 =	vmax.f32 v6, v1;
	v51 =	vmin.f32 v61, v62;
	v49 =	vmax.f32 v0, v48  }
0x12d: {  	v6 =	vmin.f32 v55, v53;
	v55 =	vmax.f32 v58, v1;
	v48 =	vmin.f32 v58, v1;
	v0 =	vld.idx.msk [tilespmem:v63+s14+$0x0], $0xffff  }
0x12e: {  	v53 =	vmax.f32 v6, v2;
	v40 =	vmin.f32 v6, v2;
	v1 =	vmul.f32 v47, v37  }
0x12f: {  	v4 =	vor.u32 v7, v4;
	vm1 =	vlt.s32 v57, $0x144F;
	v6 =	vmul.f32 v50, v37  }
0x130: {  	v7 =	vnsel vm0, $0x144F, v56;
	v2 =	vor.u32 v60, v8;
	v58 =	vmin.f32 v41, v1;
	v3 =	vld.idx.msk [tilespmem:v3+s14+$0x0], $0xffff  }
0x131: {  	v59 =	vmax.f32 v41, v1;
	v56 =	vmul.f32 v5, v37;
	v5 =	vshll.u32 v7, $0x3;
	v8 =	vld.idx.msk [tilespmem:v43+s14+$0x0], $0xffff  }
0x132: {  	v1 =	vor.u32 v35, v2;
	v60 =	vmin.f32 v44, v59;
	v2 =	vand.u32 $0xFFFFFC00, v5;
	v5 =	vld.idx.msk [tilespmem:v45+s14+$0x0], $0xffff  }
0x133: {  	v7 =	vand.u32 $0x7F, v7;
	v61 =	vmax.f32 v42, v58;
	v43 =	vnsel vm1, $0x144F, v57  }
0x134: {  	v41 =	vmul.f32 v0, v37;
	v0 =	vor.u32 v2, v7;
	v2 =	vshll.u32 v9, $0x3  }
0x135: {  	v7 =	vand.u32 $0x7F, v9;
	v9 =	vand.u32 $0x7F, v43;
	v2 =	vand.u32 $0xFFFFFC00, v2  }
0x136: {  	v47 =	vor.u32 v35, v0;
	v0 =	vor.u32 v2, v7;
	v7 =	vshll.u32 v43, $0x3  }
.Ltmp1:
0x137: {  	v43 =	vor.u32 v35, v0;
	v57 =	vmul.f32 v3, v37;
	v0 =	vand.u32 $0xFFFFFC00, v7;
	v2 =	vld.idx.msk [tilespmem:v1+s14+$0x0], $0xffff;
	(pc) =	sbr.rel @p0 .LBB2_6-.Ltmp1, $4  }
0x138: {  	v0 =	vor.u32 v0, v9;
	v7 =	vmul.f32 v8, v37;
	v3 =	vmul.f32 v5, v37  }
0x139: {  	v50 =	vor.u32 v35, v4;
	v45 =	vor.u32 v35, v0  }
0x13a: {  	v1 =	vmin.f32 v7, v6;
	v63 =	vmax.f32 v7, v6;
	v0 =	vmin.f32 v39, v3  }
0x13b: {  	v46 =	vadd.s32 $0xD0, v46;
	v62 =	vmin.f32 v1, v0  }
0x13c: {  	v3 =	vmax.f32 v39, v3  }
0x13d: {  	v4 =	vmax.f32 v60, v61;
	v5 =	vmin.f32 v60, v61;
	v6 =	vmax.f32 v44, v59  }
0x13e: {  	v7 =	vmin.f32 v42, v58;
	v2 =	vmul.f32 v2, v37;
	v0 =	vmax.f32 v1, v0  }
0x13f: {  	v8 =	vmax.f32 v63, v3;
	v9 =	vmin.f32 v7, v62;
	v59 =	vmin.f32 v63, v3  }
0x140: {  	v1 =	vmax.f32 v7, v62;
	v3 =	vmax.f32 v59, v0;
	v60 =	vmin.f32 v6, v8  }
0x141: {  	v0 =	vmin.f32 v59, v0;
	v44 =	vmin.f32 v2, v56;
	v2 =	vmax.f32 v2, v56  }
0x142: {  	v6 =	vmax.f32 v6, v8;
	v9 =	vmax.f32 v52, v9;
	v61 =	vmax.f32 v5, v0  }
0x143: {  	v62 =	vmin.f32 v4, v3;
	v6 =	vmax.f32 v54, v6;
	v0 =	vmin.f32 v5, v0  }
0x144: {  	v45 =	vld.idx.msk [tilespmem:v45+s14+$0x0], $0xffff;
	v3 =	vmax.f32 v4, v3;
	v46 =	vmax.f32 v62, v1;
	v63 =	vmin.f32 v60, v61  }
0x145: {  	v7 =	vmax.f32 v60, v61;
	v1 =	vmin.f32 v62, v1;
	v59 =	vmin.f32 v63, v46  }
0x146: {  	v8 =	vmax.f32 v63, v46;
	v61 =	vmin.f32 v0, v1;
	v0 =	vmax.f32 v0, v1  }
0x147: {  	v62 =	vmax.f32 v7, v3;
	v3 =	vmin.f32 v7, v3;
	v39 =	vmax.f32 v40, v59  }
0x148: {  	v56 =	vld.idx.msk [tilespmem:v43+s14+$0x0], $0xffff;
	v8 =	vmax.f32 v55, v8;
	v0 =	vmax.f32 v53, v0;
	v1 =	vmax.f32 v49, v62  }
0x149: {  	v4 =	vmax.f32 v51, v61;
	v3 =	vmax.f32 v48, v3;
	v62 =	vmul.f32 v45, v37  }
0x14a: {  	v51 =	vmul.f32 v37, v36;
	v60 =	vmax.f32 v9, v8;
	v40 =	vmax.f32 v39, v6  }
0x14b: {  	v54 =	vld.idx.msk [tilespmem:v50+s14+$0x0], $0xffff;
	v8 =	vmin.f32 v9, v8;
	v63 =	vmax.f32 v0, v1;
	v6 =	vmin.f32 v39, v6  }
0x14c: {  	v53 =	vmax.f32 v4, v3;
	v3 =	vmin.f32 v4, v3;
	v0 =	vmin.f32 v0, v1  }
0x14d: {  	v1 =	vmul.f32 v56, v37;
	v52 =	vmax.f32 v60, v63;
	v55 =	vmax.f32 v53, v40  }
0x14e: {  	v9 =	vld.idx.msk [tilespmem:v47+s14+$0x0], $0xffff;
	v58 =	vmin.f32 v3, v6;
	v59 =	vmin.f32 v8, v0;
	v40 =	vmin.f32 v53, v40  }
0x14f: {  	v0 =	vmax.f32 v8, v0;
	v3 =	vmax.f32 v3, v6;
	v5 =	vmin.f32 v60, v63  }
0x150: {  	v11 =	vld [tilespmem:$0x1FF90];
	v60 =	vmul.f32 v54, v37;
	v54 =	vmin.f32 v57, v62;
	v4 =	vmax.f32 v52, v55  }
0x151: {  	v8 =	vmin.f32 v59, v58;
	v6 =	vmin.f32 v52, v55;
	v39 =	vmax.f32 v59, v58  }
0x152: {  	v7 =	vmax.f32 v0, v3;
	v0 =	vmin.f32 v0, v3;
	v43 =	vmax.f32 v5, v40  }
0x153: {  	v5 =	vmin.f32 v5, v40;
	v53 =	vmin.f32 v1, v60;
	v9 =	vmul.f32 v9, v37  }
0x154: {  	v1 =	vmax.f32 v1, v60;
	v55 =	vmin.f32 v53, v54;
	v3 =	vmax.f32 v53, v54  }
0x155: {  	v53 =	vor.u32 v11, v35;
	v61 =	vmin.f32 v41, v9;
	v9 =	vmax.f32 v41, v9  }
0x156: {  	v11 =	vld [tilespmem:$0x1FFA0];
	v41 =	vmax.f32 v57, v62;
	v63 =	vmin.f32 v2, v9;
	v52 =	vmax.f32 v44, v61  }
0x157: {  	v2 =	vmax.f32 v2, v9;
	v9 =	vmin.f32 v44, v61;
	v57 =	vmax.f32 v1, v41  }
0x158: {  	v1 =	vmin.f32 v1, v41;
	v56 =	vmax.f32 v63, v52;
	v45 =	vmin.f32 v63, v52  }
0x159: {  	v41 =	vmax.f32 v1, v3;
	v58 =	vmin.f32 v2, v57;
	v1 =	vmin.f32 v1, v3  }
0x15a: {  	v59 =	vmax.f32 v9, v55;
	v9 =	vmin.f32 v9, v55;
	v2 =	vmax.f32 v2, v57  }
0x15b: {  	v55 =	vor.u32 v11, v35;
	v46 =	vmax.f32 v45, v1;
	v60 =	vmin.f32 v56, v41  }
0x15c: {  	v2 =	vmax.f32 v8, v2;
	v4 =	vmax.f32 v4, v9;
	v1 =	vmin.f32 v45, v1  }
0x15d: {  	v45 =	vmax.f32 v56, v41;
	v61 =	vmax.f32 v60, v59;
	v62 =	vmin.f32 v58, v46  }
0x15e: {  	v44 =	vmax.f32 v58, v46;
	v3 =	vmin.f32 v60, v59;
	v63 =	vmin.f32 v62, v61  }
0x15f: {  	v40 =	vmax.f32 v62, v61;
	v9 =	vmin.f32 v1, v3;
	v1 =	vmax.f32 v1, v3  }
0x160: {  	v3 =	vmax.f32 v44, v45;
	v5 =	vmax.f32 v5, v63;
	v7 =	vmax.f32 v7, v40  }
0x161: {  	v6 =	vmax.f32 v6, v9;
	v9 =	vmin.f32 v44, v45;
	v1 =	vmax.f32 v43, v1  }
0x162: {  	v3 =	vmax.f32 v39, v3;
	v8 =	vmax.f32 v4, v7;
	v0 =	vmax.f32 v0, v9  }
0x163: {  	v52 =	vld [tilespmem:$0x1FF80];
	v9 =	vmax.f32 v5, v2;
	v39 =	vmax.f32 v1, v3;
	v4 =	vmin.f32 v4, v7  }
0x164: {  	v2 =	vmin.f32 v5, v2;
	v1 =	vmin.f32 v1, v3;
	v46 =	vmax.f32 v6, v0  }
0x165: {  	v47 =	vmax.f32 v8, v39;
	v0 =	vmin.f32 v6, v0;
	v7 =	vmax.f32 v4, v1  }
0x166: {  	v1 =	vmin.f32 v4, v1;
	v48 =	vmax.f32 v46, v9;
	v6 =	vmin.f32 v0, v2  }
0x167: {  	v11 =	vld [tilespmem:$0x1FFF0];
	v50 =	vmin.f32 v46, v9;
	v49 =	vmax.f32 v47, v48;
	v4 =	vmin.f32 v1, v6  }
0x168: {  	v59 =	vld [tilespmem:$0x1FFB0];
	v9 =	vmin.f32 v47, v48;
	v1 =	vmax.f32 v1, v6;
	v6 =	vor.u32 v52, v35  }
0x169: {  	v60 =	vld [tilespmem:$0x1FFC0];
	v8 =	vmin.f32 v8, v39;
	v5 =	vmul.f32 v49, v51;
	v9 =	vmul.f32 v9, v51  }
0x16a: {  	v54 =	vmax.f32 v8, v50;
	v3 =	vmin.f32 v8, v50;
	v8 =	vld [tilespmem:$0x1FFD0]  }
0x16b: {  	v0 =	vmax.f32 v0, v2;
	v5 =	vadd.f32 v5, v38;
	v57 =	vadd.f32 v9, v38;
	v9 =	vld [tilespmem:$0x1FFE0]  }
0x16c: {  	v62 =	vor.u32 v11, v35;
	v56 =	vmax.f32 v7, v0;
	v0 =	vmin.f32 v7, v0  }
0x16d: {  	v37 =	vmul.f32 v54, v51;
	[tilespmem:v6+s17+$0x0] =	vst.idx.msk $0x1fff, v5;
	v6 =	vor.u32 v59, v35  }
0x16e: {  	v7 =	vor.u32 v60, v35;
	v3 =	vmul.f32 v3, v51;
	v61 =	vmul.f32 v56, v51  }
0x16f: {  	v0 =	vmul.f32 v0, v51;
	v58 =	vadd.f32 v37, v38;
	v8 =	vor.u32 v8, v35  }
0x170: {  	s24 =	sadd.s32 $0x1, s24;
	v3 =	vadd.f32 v3, v38;
	[tilespmem:v53+s17+$0x0] =	vst.idx.msk $0x1fff, v57;
	v9 =	vor.u32 v9, v35  }
0x171: {  	p0 =	sne.s32 s24, $0x8;
	v1 =	vmul.f32 v1, v51;
	v5 =	vadd.f32 v61, v38;
	[tilespmem:v55+s17+$0x0] =	vst.idx.msk $0x1fff, v58  }
.Ltmp2:
0x172: {  	v2 =	vmul.f32 v4, v51;
	v0 =	vadd.f32 v0, v38;
	[tilespmem:v6+s17+$0x0] =	vst.idx.msk $0x1fff, v3;
	(pc) =	sbr.rel @p0 .LBB2_3-.Ltmp2, $4  }
0x173: {  	v1 =	vadd.f32 v1, v38;
	[tilespmem:v7+s17+$0x0] =	vst.idx.msk $0x1fff, v5  }
0x174: {  	v63 =	vadd.f32 v2, v38;
	[tilespmem:v8+s17+$0x0] =	vst.idx.msk $0x1fff, v0  }
0x175: {  	[tilespmem:v9+s17+$0x0] =	vst.idx.msk $0x1fff, v1  }
0x176: {  	[tilespmem:v62+s17+$0x0] =	vst.idx.msk $0x1fff, v63  }
0x177: {  	s24 =	sshll.u32 s21, $0x9;
	p0 =	seq.s32 s21, $0x7  }
0x178: {  	s24 =	sadd.s32 s24, s8;
	s23 =	sadd.s32 @!p0 s23, s9  }
0x179: {  	[hbm4b:s24+s4] =	stream.linear.scatter [tilespmem:s17], [sflag:$0x3], $0x800, $0x38;
	[tilespmem:$0x15100] =	vst v63  }
0x17a: {  	s23 =	sshrl.u32 @!p0 s23, $0x3  }
0x17b: {  	_ =	swait.ge [sflag:s18], $0x800;
	s23 =	smul.u32 @!p0 $0x1480, s23  }
0x17c: {  	s25 =	simm.s32 @!p0 $0x100;
	[sflag:s18] =	ssyncset.done $0x0  }
0x17d: {  	s24 =	simm.s32 @!p0 $0x0;
	[sflag:s18] =	ssyncadd.s32 $0xFFFFF800;
	s23 =	sadd.s32 @!p0 s5, s23  }
0x17e: {  	[tilespmem:s25], [sflag:$0x1] =	stream.linear.gather @!p0 [hbm4b:s23+s24], $0xA400, $0x38;
	[tilespmem:$0x15100] =	vst v63  }
0x17f: {  	_ =	swait.ge [sflag:s19], $0xA400  }
0x180: {  	[sflag:s19] =	ssyncset.done $0x0  }
0x181: {  	s23 =	simm.s32 $0x0;
	[sflag:s19] =	ssyncadd.s32 $0xFFFF5C00  }
.LBB2_9:
0x182: {  	v0 =	vmov s23;
	v1 =	vlaneseq.u32  }
0x183: {  	v39 =	vimm.f32 $-Inf;
	v0 =	vshll.u32 v0, $0x7;
	v2 =	vadd.s32 $0xB6, v1  }
0x184: {  	v4 =	vand.u32 $0x7F, v1;
	v5 =	vadd.s32 $0x82, v1;
	v6 =	vadd.s32 $0x1A, v1  }
0x185: {  	v7 =	vshll.u32 v1, $0x3;
	v36 =	vadd.s32 $0x34, v1;
	v61 =	vadd.s32 $0x68, v1  }
0x186: {  	v35 =	vbroadcast v0, $0x0;
	v0 =	vadd.s32 $0x4E, v1;
	v3 =	vand.u32 $0x7F, v2  }
0x187: {  	v8 =	vshll.u32 v6, $0x3;
	v9 =	vshll.u32 v5, $0x3;
	v6 =	vand.u32 $0x7F, v6  }
0x188: {  	v5 =	vand.u32 $0x7F, v5;
	v37 =	vshll.u32 v36, $0x3;
	v2 =	vshll.u32 v2, $0x3  }
0x189: {  	v8 =	vand.u32 $0xFFFFFC00, v8;
	v9 =	vand.u32 $0xFFFFFC00, v9;
	v2 =	vand.u32 $0xFFFFFC00, v2  }
0x18a: {  	v6 =	vor.u32 v8, v6;
	v5 =	vor.u32 v9, v5;
	v8 =	vand.u32 $0xFFFFFC00, v37  }
0x18b: {  	v9 =	vand.u32 $0x7F, v36;
	v2 =	vor.u32 v2, v3;
	v3 =	vand.u32 $0xFFFFFC00, v7  }
0x18c: {  	v7 =	vand.u32 $0x7F, v61;
	v5 =	vor.u32 v35, v5;
	v6 =	vor.u32 v35, v6  }
0x18d: {  	v59 =	vor.u32 v8, v9;
	v2 =	vor.u32 v35, v2;
	v8 =	vshll.u32 v0, $0x3  }
0x18e: {  	v3 =	vor.u32 v3, v4;
	v0 =	vand.u32 $0x7F, v0;
	v9 =	vadd.s32 $0x9C, v1  }
0x18f: {  	v1 =	vadd.s32 $0xD0, v1;
	v4 =	vor.u32 v35, v59;
	v60 =	vand.u32 $0xFFFFFC00, v8  }
0x190: {  	v3 =	vor.u32 v35, v3;
	v8 =	vimm.f32 $1.000000000e+00;
	v40 =	vadd.s32 $0xB6, v1  }
0x191: {  	v62 =	vand.u32 $0x7F, v1;
	v45 =	vadd.s32 $0x9C, v1;
	v46 =	vadd.s32 $0x68, v1  }
0x192: {  	v36 =	vld [tilespmem:$0x0];
	v44 =	vadd.s32 $0x82, v1;
	v63 =	vadd.s32 $0x1A, v1;
	v47 =	vadd.s32 $0x34, v1  }
0x193: {  	v0 =	vor.u32 v60, v0;
	v42 =	vand.u32 $0x7F, v40;
	v49 =	vshll.u32 v63, $0x3  }
0x194: {  	v50 =	vshll.u32 v44, $0x3;
	v52 =	vand.u32 $0x7F, v44;
	v44 =	vshll.u32 v47, $0x3  }
0x195: {  	v53 =	vshll.u32 v46, $0x3;
	v46 =	vand.u32 $0x7F, v46;
	v0 =	vor.u32 v35, v0;
	v5 =	vld.idx.msk [tilespmem:v5+s15+$0x0], $0xffff  }
0x196: {  	v40 =	vshll.u32 v40, $0x3;
	v49 =	vand.u32 $0xFFFFFC00, v49;
	v50 =	vand.u32 $0xFFFFFC00, v50;
	v6 =	vld.idx.msk [tilespmem:v6+s15+$0x0], $0xffff  }
0x197: {  	v55 =	vand.u32 $0xFFFFFC00, v53;
	v59 =	vand.u32 $0xFFFFFC00, v40;
	vm0 =	vlt.f32 v36, $0.0e+00;
	v2 =	vld.idx.msk [tilespmem:v2+s15+$0x0], $0xffff  }
0x198: {  	v50 =	vor.u32 v50, v52;
	v37 =	vsel vm0, $0xBF800000, v8;
	v8 =	vshll.u32 v61, $0x3;
	v4 =	vld.idx.msk [tilespmem:v4+s15+$0x0], $0xffff  }
0x199: {  	v46 =	vor.u32 v55, v46;
	v60 =	vor.u32 v35, v50;
	v8 =	vand.u32 $0xFFFFFC00, v8;
	v3 =	vld.idx.msk [tilespmem:v3+s15+$0x0], $0xffff  }
0x19a: {  	v61 =	vshll.u32 v45, $0x3;
	v7 =	vor.u32 v8, v7;
	v8 =	vshll.u32 v9, $0x3;
	v0 =	vld.idx.msk [tilespmem:v0+s15+$0x0], $0xffff  }
0x19b: {  	v9 =	vand.u32 $0x7F, v9;
	v8 =	vand.u32 $0xFFFFFC00, v8;
	v7 =	vor.u32 v35, v7  }
0x19c: {  	v8 =	vor.u32 v8, v9;
	v9 =	vadd.s32 $0x4E, v1;
	v5 =	vmul.f32 v5, v37  }
0x19d: {  	v2 =	vmul.f32 v2, v37;
	v6 =	vmul.f32 v6, v37;
	v8 =	vor.u32 v35, v8  }
0x19e: {  	v38 =	vshll.u32 v9, $0x3;
	v9 =	vand.u32 $0x7F, v9;
	v3 =	vmul.f32 v3, v37  }
0x19f: {  	v4 =	vmul.f32 v4, v37;
	v38 =	vand.u32 $0xFFFFFC00, v38;
	v0 =	vmul.f32 v0, v37  }
0x1a0: {  	v9 =	vor.u32 v38, v9;
	v41 =	vmin.f32 v3, v6;
	v3 =	vmax.f32 v3, v6;
	v7 =	vld.idx.msk [tilespmem:v7+s15+$0x0], $0xffff  }
0x1a1: {  	v6 =	vand.u32 $0xFFFFFC00, v44;
	v43 =	vmin.f32 v4, v0;
	v0 =	vmax.f32 v4, v0  }
0x1a2: {  	v4 =	vshll.u32 v1, $0x3;
	v8 =	vld.idx.msk [tilespmem:v8+s15+$0x0], $0xffff;
	v48 =	vmax.f32 v41, v43;
	v43 =	vmin.f32 v41, v43  }
0x1a3: {  	v51 =	vmin.f32 v3, v0;
	v4 =	vand.u32 $0xFFFFFC00, v4;
	v41 =	vand.u32 $0x7F, v63  }
0x1a4: {  	v0 =	vmax.f32 v3, v0;
	v4 =	vor.u32 v4, v62;
	v41 =	vor.u32 v49, v41  }
0x1a5: {  	v49 =	vimm.f32 $-Inf;
	v7 =	vmul.f32 v7, v37;
	v44 =	vor.u32 v35, v4  }
0x1a6: {  	v4 =	vand.u32 $0x7F, v47;
	v58 =	vor.u32 v35, v41;
	v47 =	vor.u32 v35, v9  }
0x1a7: {  	v4 =	vor.u32 v6, v4;
	v54 =	vmax.f32 v7, v5;
	v8 =	vmul.f32 v8, v37  }
0x1a8: {  	v5 =	vmin.f32 v7, v5;
	v7 =	vor.u32 v59, v42;
	v4 =	vor.u32 v35, v4  }
0x1a9: {  	v42 =	vadd.s32 $0xD0, v1;
	v7 =	vor.u32 v35, v7;
	v62 =	vmax.f32 v8, v2  }
0x1aa: {  	v2 =	vmin.f32 v8, v2;
	v8 =	vld.idx.msk [tilespmem:v60+s15+$0x0], $0xffff;
	v60 =	vimm.f32 $-Inf;
	v3 =	vmax.f32 v54, v62  }
0x1ab: {  	v9 =	vmax.f32 v5, v2;
	v6 =	vmin.f32 v54, v62;
	v2 =	vmin.f32 v5, v2  }
0x1ac: {  	v54 =	vmin.f32 v0, v3;
	v52 =	vmax.f32 v0, v3;
	v0 =	vmin.f32 v51, v48  }
0x1ad: {  	v3 =	vmax.f32 v51, v48;
	v63 =	vmin.f32 v6, v9;
	v5 =	vmax.f32 v6, v9  }
0x1ae: {  	v1 =	vld.idx.msk [tilespmem:v58+s15+$0x0], $0xffff;
	v58 =	vimm.f32 $-Inf;
	v57 =	vmax.f32 v0, v63;
	v6 =	vmin.f32 v3, v5  }
0x1af: {  	v56 =	vmax.f32 v3, v5;
	v3 =	vand.u32 $0xFFFFFC00, v61;
	v0 =	vmin.f32 v0, v63;
	v7 =	vld.idx.msk [tilespmem:v7+s15+$0x0], $0xffff  }
0x1b0: {  	v5 =	vand.u32 $0x7F, v45;
	v45 =	vimm.f32 $-Inf;
	v55 =	vmin.f32 v54, v57  }
0x1b1: {  	v59 =	vld.idx.msk [tilespmem:v4+s15+$0x0], $0xffff;
	v53 =	vor.u32 v3, v5;
	v41 =	vmul.f32 v8, v37;
	v8 =	vmax.f32 v43, v2  }
0x1b2: {  	v3 =	vmin.f32 v43, v2;
	v2 =	vimm.f32 $-Inf;
	v5 =	vmin.f32 v6, v8  }
0x1b3: {  	v43 =	vimm.f32 $-Inf;
	v51 =	vmax.f32 v6, v8;
	v48 =	vmax.f32 v0, v5  }
0x1b4: {  	s24 =	simm.s32 $0x17;
	v38 =	vld [tilespmem:$0x80];
	v50 =	vmin.f32 v0, v5;
	v0 =	vimm.f32 $-Inf;
	v40 =	vmul.f32 v7, v37  }
.LBB2_10:
0x1b5: {  	p0 =	sne.s32 s24, $0x1;
	s24 =	sadd.s32 $0xFFFFFFFF, s24;
	v1 =	vmul.f32 v1, v37;
	v4 =	vmax.f32 v54, v57;
	v3 =	vmax.f32 v39, v3  }
0x1b6: {  	v5 =	vmul.f32 v59, v37;
	v6 =	vmin.f32 v4, v56;
	v4 =	vmax.f32 v4, v56  }
0x1b7: {  	v48 =	vmax.f32 v45, v48;
	v6 =	vmax.f32 v49, v6;
	v49 =	vmax.f32 v60, v4  }
0x1b8: {  	v7 =	vmin.f32 v55, v51;
	v8 =	vmax.f32 v55, v51;
	v9 =	vmax.f32 v58, v52;
	v4 =	vld.idx.msk [tilespmem:v44+s15+$0x0], $0xffff  }
0x1b9: {  	v39 =	vadd.s32 $0x4E, v42;
	v52 =	vadd.s32 $0xB6, v42;
	v0 =	vmax.f32 v0, v8  }
0x1ba: {  	v46 =	vor.u32 v35, v46;
	v8 =	vshll.u32 v39, $0x3;
	v2 =	vmax.f32 v2, v7;
	v44 =	vld.idx.msk [tilespmem:v47+s15+$0x0], $0xffff  }
0x1bb: {  	v7 =	vmax.f32 v43, v50;
	v43 =	vmax.f32 v3, v0;
	v45 =	vmax.f32 v48, v49  }
0x1bc: {  	v51 =	vmax.f32 v2, v9;
	v50 =	vmin.f32 v43, v45;
	v47 =	vmax.f32 v7, v6  }
0x1bd: {  	v54 =	vmax.f32 v43, v45;
	v55 =	vmax.f32 v47, v51;
	v51 =	vmin.f32 v47, v51  }
0x1be: {  	v43 =	vmin.f32 v54, v55;
	v45 =	vmax.f32 v50, v51;
	v4 =	vmul.f32 v4, v37  }
0x1bf: {  	v2 =	vmin.f32 v2, v9;
	v6 =	vmin.f32 v7, v6;
	v47 =	vor.u32 v35, v53;
	v46 =	vld.idx.msk [tilespmem:v46+s15+$0x0], $0xffff  }
0x1c0: {  	v7 =	vand.u32 $0xFFFFFC00, v8;
	v8 =	vmul.f32 v44, v37;
	v9 =	vmin.f32 v4, v1  }
0x1c1: {  	v56 =	vand.u32 $0x7F, v52;
	v53 =	vand.u32 $0x7F, v39;
	v1 =	vmax.f32 v4, v1  }
0x1c2: {  	v4 =	vand.u32 $0x7F, v42;
	v39 =	vmin.f32 v5, v8;
	v5 =	vmax.f32 v5, v8  }
0x1c3: {  	v58 =	vadd.s32 $0x9C, v42;
	v8 =	vshll.u32 v42, $0x3;
	v57 =	vmax.f32 v9, v39  }
0x1c4: {  	v59 =	vadd.s32 $0x68, v42;
	v44 =	vadd.s32 $0x82, v42;
	v9 =	vmin.f32 v9, v39;
	v47 =	vld.idx.msk [tilespmem:v47+s15+$0x0], $0xffff  }
0x1c5: {  	v61 =	vadd.s32 $0x34, v42;
	v60 =	vadd.s32 $0x1A, v42;
	v62 =	vmin.f32 v1, v5  }
0x1c6: {  	v63 =	vshll.u32 v60, $0x3;
	v11 =	vshll.u32 v44, $0x3;
	v39 =	vmax.f32 v54, v55  }
0x1c7: {  	v11 =	vand.u32 $0xFFFFFC00, v11;
	v54 =	vand.u32 $0xFFFFFC00, v63;
	v46 =	vmul.f32 v46, v37  }
0x1c8: {  	v8 =	vand.u32 $0xFFFFFC00, v8;
	v55 =	vand.u32 $0x7F, v60;
	v60 =	vand.u32 $0x7F, v44  }
0x1c9: {  	v63 =	vshll.u32 v59, $0x3;
	v4 =	vor.u32 v8, v4;
	v8 =	vshll.u32 v61, $0x3  }
0x1ca: {  	v54 =	vor.u32 v54, v55;
	v8 =	vand.u32 $0xFFFFFC00, v8;
	v55 =	vmax.f32 v46, v41  }
0x1cb: {  	v44 =	vor.u32 v35, v4;
	v4 =	vand.u32 $0x7F, v61;
	v61 =	vand.u32 $0xFFFFFC00, v63  }
0x1cc: {  	v59 =	vand.u32 $0x7F, v59;
	v11 =	vor.u32 v11, v60;
	v41 =	vmin.f32 v46, v41  }
0x1cd: {  	v52 =	vshll.u32 v52, $0x3;
	v7 =	vor.u32 v7, v53;
	v11 =	vor.u32 v35, v11  }
0x1ce: {  	v60 =	vshll.u32 v58, $0x3;
	v53 =	vor.u32 v35, v54;
	v46 =	vor.u32 v61, v59  }
0x1cf: {  	v4 =	vor.u32 v8, v4;
	v8 =	vand.u32 $0xFFFFFC00, v52;
	v52 =	vmul.f32 v47, v37  }
0x1d0: {  	v0 =	vmin.f32 v3, v0;
	v47 =	vor.u32 v35, v7;
	v7 =	vor.u32 v8, v56  }
0x1d1: {  	v3 =	vor.u32 v35, v4;
	v4 =	vor.u32 v35, v7;
	v7 =	vmin.f32 v6, v2  }
0x1d2: {  	v5 =	vmax.f32 v1, v5;
	v8 =	vld.idx.msk [tilespmem:v11+s15+$0x0], $0xffff;
	v11 =	vmin.f32 v52, v40;
	v40 =	vmax.f32 v52, v40  }
0x1d3: {  	v1 =	vld.idx.msk [tilespmem:v53+s15+$0x0], $0xffff;
	v53 =	vmax.f32 v41, v11;
	v56 =	vmin.f32 v55, v40;
	v40 =	vmax.f32 v55, v40  }
0x1d4: {  	v2 =	vmax.f32 v6, v2;
	v54 =	vmin.f32 v5, v40;
	v52 =	vmax.f32 v5, v40  }
0x1d5: {  	v6 =	vmax.f32 v62, v57;
	v5 =	vmin.f32 v62, v57;
	v40 =	vmin.f32 v56, v53  }
0x1d6: {  	v11 =	vmin.f32 v41, v11;
	v41 =	vmax.f32 v56, v53;
	v57 =	vmax.f32 v5, v40;
	v4 =	vld.idx.msk [tilespmem:v4+s15+$0x0], $0xffff  }
0x1d7: {  	v61 =	vmin.f32 v6, v41;
	v56 =	vmax.f32 v6, v41;
	v55 =	vmin.f32 v54, v57;
	v59 =	vld.idx.msk [tilespmem:v3+s15+$0x0], $0xffff  }
0x1d8: {  	v5 =	vmin.f32 v5, v40;
	v6 =	vmin.f32 v48, v49;
	v3 =	vand.u32 $0xFFFFFC00, v60  }
0x1d9: {  	v40 =	vmax.f32 v0, v6;
	v41 =	vmul.f32 v8, v37;
	v8 =	vand.u32 $0x7F, v58  }
.Ltmp3:
0x1da: {  	v53 =	vor.u32 v3, v8;
	v3 =	vmin.f32 v0, v6;
	v0 =	vmax.f32 v40, v2;
	(pc) =	sbr.rel @p0 .LBB2_10-.Ltmp3, $4  }
0x1db: {  	v49 =	vmin.f32 v40, v2;
	v6 =	vmax.f32 v9, v11;
	v60 =	vmax.f32 v3, v7  }
0x1dc: {  	v58 =	vmin.f32 v3, v7;
	v40 =	vmul.f32 v4, v37;
	v4 =	vmin.f32 v61, v6  }
0x1dd: {  	v2 =	vmin.f32 v50, v51;
	v3 =	vmin.f32 v9, v11;
	v48 =	vmax.f32 v5, v4  }
0x1de: {  	v42 =	vadd.s32 $0xD0, v42;
	v51 =	vmax.f32 v61, v6;
	v50 =	vmin.f32 v5, v4  }
0x1df: {  	v1 =	vmul.f32 v1, v37  }
0x1e0: {  	v4 =	vmax.f32 v54, v57;
	v3 =	vmax.f32 v39, v3;
	v5 =	vmul.f32 v59, v37  }
0x1e1: {  	v7 =	vmax.f32 v45, v48;
	v8 =	vor.u32 v35, v46;
	v11 =	vor.u32 v35, v53  }
0x1e2: {  	v42 =	vmax.f32 v55, v51;
	v57 =	vmax.f32 v58, v52;
	v59 =	vmax.f32 v43, v50  }
0x1e3: {  	v6 =	vmin.f32 v4, v56;
	v4 =	vmax.f32 v4, v56;
	v56 =	vmin.f32 v55, v51  }
0x1e4: {  	v0 =	vmax.f32 v0, v42;
	v6 =	vmax.f32 v49, v6;
	v4 =	vmax.f32 v60, v4  }
0x1e5: {  	v9 =	vld.idx.msk [tilespmem:v44+s15+$0x0], $0xffff;
	v2 =	vmax.f32 v2, v56;
	v42 =	vmax.f32 v3, v0;
	v0 =	vmin.f32 v3, v0  }
0x1e6: {  	v58 =	vld.idx.msk [tilespmem:v47+s15+$0x0], $0xffff;
	v60 =	vmax.f32 v7, v4;
	v61 =	vmax.f32 v59, v6;
	v62 =	vmax.f32 v2, v57  }
0x1e7: {  	v6 =	vmin.f32 v59, v6;
	v2 =	vmin.f32 v2, v57;
	v4 =	vmin.f32 v7, v4  }
0x1e8: {  	v48 =	vmin.f32 v42, v60;
	v42 =	vmax.f32 v42, v60;
	v63 =	vmax.f32 v61, v62  }
0x1e9: {  	v46 =	vmin.f32 v61, v62;
	v3 =	vmin.f32 v6, v2;
	v2 =	vmax.f32 v6, v2  }
0x1ea: {  	v60 =	vmax.f32 v0, v4;
	v0 =	vmin.f32 v0, v4;
	v8 =	vld.idx.msk [tilespmem:v8+s15+$0x0], $0xffff;
	v9 =	vmul.f32 v9, v37  }
0x1eb: {  	v11 =	vld.idx.msk [tilespmem:v11+s15+$0x0], $0xffff;
	v47 =	vmin.f32 v42, v63;
	v49 =	vmax.f32 v48, v46;
	v45 =	vmul.f32 v58, v37  }
0x1ec: {  	v42 =	vmax.f32 v42, v63;
	v4 =	vmax.f32 v60, v2;
	v2 =	vmin.f32 v60, v2  }
0x1ed: {  	v62 =	vmax.f32 v0, v3;
	v0 =	vmin.f32 v0, v3;
	v60 =	vor.u32 v15, v35  }
0x1ee: {  	v50 =	vmin.f32 v9, v1;
	v1 =	vmax.f32 v9, v1;
	v9 =	vmin.f32 v5, v45  }
0x1ef: {  	v5 =	vmax.f32 v5, v45;
	v51 =	vmax.f32 v50, v9;
	v8 =	vmul.f32 v8, v37  }
0x1f0: {  	v9 =	vmin.f32 v50, v9;
	v52 =	vmin.f32 v1, v5;
	v11 =	vmul.f32 v11, v37  }
0x1f1: {  	v1 =	vmax.f32 v1, v5;
	v56 =	vmin.f32 v52, v51;
	v53 =	vmax.f32 v8, v41  }
0x1f2: {  	v8 =	vmin.f32 v8, v41;
	v54 =	vmin.f32 v11, v40;
	v11 =	vmax.f32 v11, v40  }
0x1f3: {  	v39 =	vmax.f32 v52, v51;
	v5 =	vmax.f32 v8, v54;
	v40 =	vmax.f32 v53, v11  }
0x1f4: {  	v11 =	vmin.f32 v53, v11;
	v8 =	vmin.f32 v8, v54;
	v55 =	vmin.f32 v1, v40  }
0x1f5: {  	v1 =	vmax.f32 v1, v40;
	v57 =	vmin.f32 v11, v5;
	v5 =	vmax.f32 v11, v5  }
0x1f6: {  	v61 =	vmax.f32 v9, v8;
	v3 =	vmin.f32 v9, v8;
	v9 =	vmin.f32 v48, v46  }
0x1f7: {  	v11 =	vmax.f32 v56, v57;
	v58 =	vmin.f32 v39, v5;
	v5 =	vmax.f32 v39, v5  }
0x1f8: {  	v6 =	vmin.f32 v56, v57;
	v3 =	vmax.f32 v42, v3;
	v0 =	vmax.f32 v0, v1  }
0x1f9: {  	v59 =	vmin.f32 v55, v11;
	v63 =	vmin.f32 v58, v61;
	v40 =	vmax.f32 v58, v61  }
0x1fa: {  	v11 =	vmax.f32 v55, v11;
	v8 =	vmax.f32 v6, v63;
	v6 =	vmin.f32 v6, v63  }
0x1fb: {  	v50 =	vmin.f32 v11, v5;
	v5 =	vmax.f32 v11, v5;
	v11 =	vmax.f32 v59, v40  }
0x1fc: {  	v7 =	vmin.f32 v59, v40;
	v59 =	vor.u32 v14, v35;
	v8 =	vmax.f32 v49, v8  }
0x1fd: {  	v2 =	vmax.f32 v2, v50;
	v5 =	vmax.f32 v62, v5;
	v1 =	vmax.f32 v4, v11  }
0x1fe: {  	v4 =	vmax.f32 v9, v7;
	v6 =	vmax.f32 v47, v6;
	v51 =	vmax.f32 v3, v1  }
0x1ff: {  	v9 =	vmax.f32 v8, v5;
	v11 =	vmax.f32 v6, v2;
	v52 =	vmax.f32 v4, v0  }
0x200: {  	v56 =	vld [tilespmem:$0x1FF70];
	v2 =	vmin.f32 v6, v2;
	v0 =	vmin.f32 v4, v0;
	v1 =	vmin.f32 v3, v1  }
0x201: {  	v53 =	vmax.f32 v51, v9;
	v54 =	vmax.f32 v11, v52;
	v7 =	vmin.f32 v51, v9  }
0x202: {  	v9 =	vmin.f32 v11, v52;
	v3 =	vmin.f32 v2, v0;
	v0 =	vmax.f32 v2, v0  }
0x203: {  	v2 =	vmin.f32 v8, v5;
	v5 =	vmul.f32 v37, v36;
	v4 =	vmax.f32 v53, v54  }
0x204: {  	v55 =	vmax.f32 v1, v2;
	v1 =	vmin.f32 v1, v2;
	v2 =	vor.u32 v10, v35  }
0x205: {  	v36 =	vor.u32 v56, v35;
	v11 =	vmin.f32 v53, v54;
	v4 =	vmul.f32 v4, v5  }
0x206: {  	v39 =	vmax.f32 v7, v9;
	v57 =	vmul.f32 v11, v5;
	v11 =	vor.u32 v12, v35  }
0x207: {  	v58 =	vmax.f32 v1, v3;
	v39 =	vmul.f32 v39, v5;
	v4 =	vadd.f32 v4, v38  }
0x208: {  	v1 =	vmin.f32 v1, v3;
	v3 =	vmin.f32 v7, v9;
	v6 =	vadd.f32 v57, v38  }
0x209: {  	[tilespmem:v2+s17+$0x0] =	vst.idx.msk $0xffff, v4;
	v2 =	vadd.f32 v39, v38;
	v4 =	vor.u32 v13, v35  }
0x20a: {  	v8 =	vmax.f32 v55, v0;
	v3 =	vmul.f32 v3, v5;
	[tilespmem:v36+s17+$0x0] =	vst.idx.msk $0xffff, v6  }
0x20b: {  	v0 =	vmin.f32 v55, v0;
	[tilespmem:v11+s17+$0x0] =	vst.idx.msk $0xffff, v2;
	v2 =	vmul.f32 v8, v5  }
0x20c: {  	v0 =	vmul.f32 v0, v5;
	v3 =	vadd.f32 v3, v38;
	v8 =	vor.u32 v16, v35  }
0x20d: {  	v9 =	vmul.f32 v58, v5;
	v11 =	vor.u32 v17, v35;
	v2 =	vadd.f32 v2, v38  }
0x20e: {  	v1 =	vmul.f32 v1, v5;
	v0 =	vadd.f32 v0, v38;
	[tilespmem:v4+s17+$0x0] =	vst.idx.msk $0xffff, v3  }
0x20f: {  	v3 =	vor.u32 v35, v18;
	[tilespmem:v59+s17+$0x0] =	vst.idx.msk $0xffff, v2;
	v2 =	vadd.f32 v9, v38  }
0x210: {  	v4 =	vor.u32 v35, v23;
	[tilespmem:v60+s17+$0x0] =	vst.idx.msk $0xffff, v0;
	v0 =	vadd.f32 v1, v38  }
0x211: {  	v5 =	vor.u32 v35, v21;
	[tilespmem:v8+s17+$0x0] =	vst.idx.msk $0xffff, v2  }
0x212: {  	[tilespmem:v11+s17+$0x0] =	vst.idx.msk $0xffff, v0;
	v0 =	vor.u32 v35, v22  }
0x213: {  	v1 =	vor.u32 v35, v19;
	v36 =	vld [tilespmem:$0xD]  }
0x214: {  	v2 =	vor.u32 v35, v20;
	v3 =	vld.idx.msk [tilespmem:v3+s15+$0x0], $0xffff  }
0x215: {  	v61 =	vor.u32 v35, v27;
	v4 =	vld.idx.msk [tilespmem:v4+s15+$0x0], $0xffff  }
0x216: {  	v8 =	vor.u32 v35, v24;
	v5 =	vld.idx.msk [tilespmem:v5+s15+$0x0], $0xffff  }
0x217: {  	v44 =	vadd.s32 $0xD0, v26;
	v9 =	vor.u32 v35, v25;
	v0 =	vld.idx.msk [tilespmem:v0+s15+$0x0], $0xffff  }
0x218: {  	v41 =	vor.u32 v35, v34;
	v46 =	vor.u32 v35, v32;
	v62 =	vor.u32 v35, v29;
	v1 =	vld.idx.msk [tilespmem:v1+s15+$0x0], $0xffff  }
0x219: {  	v48 =	vimm.f32 $-Inf;
	v63 =	vimm.f32 $1.000000000e+00;
	v11 =	vor.u32 v35, v28;
	v2 =	vld.idx.msk [tilespmem:v2+s15+$0x0], $0xffff  }
0x21a: {  	v40 =	vor.u32 v35, v33;
	v49 =	vor.u32 v35, v30;
	v6 =	vld.idx.msk [tilespmem:v61+s15+$0x0], $0xffff;
	vm0 =	vlt.f32 v36, $0.0e+00  }
0x21b: {  	v50 =	vimm.f32 $-Inf;
	v47 =	vimm.f32 $-Inf;
	v8 =	vld.idx.msk [tilespmem:v8+s15+$0x0], $0xffff;
	v38 =	vsel vm0, $0xBF800000, v63  }
0x21c: {  	v52 =	vimm.f32 $-Inf;
	v9 =	vld.idx.msk [tilespmem:v9+s15+$0x0], $0xffff;
	v3 =	vmul.f32 v3, v38;
	v0 =	vmul.f32 v0, v38  }
0x21d: {  	v51 =	vimm.f32 $-Inf;
	v7 =	vld.idx.msk [tilespmem:v62+s15+$0x0], $0xffff;
	v1 =	vmul.f32 v1, v38;
	v4 =	vmul.f32 v4, v38  }
0x21e: {  	v42 =	vmul.f32 v2, v38;
	v43 =	vmin.f32 v0, v3;
	v45 =	vmax.f32 v0, v3;
	v0 =	vld.idx.msk [tilespmem:v11+s15+$0x0], $0xffff  }
0x21f: {  	v58 =	vmin.f32 v1, v4;
	v59 =	vmax.f32 v1, v4;
	v4 =	vor.u32 v35, v31  }
0x220: {  	v54 =	vimm.f32 $-Inf;
	v2 =	vmul.f32 v5, v38;
	v1 =	vmul.f32 v8, v38  }
0x221: {  	v53 =	vimm.f32 $-Inf;
	v55 =	vimm.f32 $-Inf;
	v3 =	vmul.f32 v9, v38  }
0x222: {  	v57 =	vmul.f32 v6, v38;
	v39 =	vmul.f32 v7, v38;
	v63 =	vmin.f32 v1, v2  }
0x223: {  	v37 =	vld [tilespmem:$0x8D];
	v1 =	vmax.f32 v1, v2;
	v56 =	vmul.f32 v0, v38;
	v0 =	vmin.f32 v42, v3  }
0x224: {  	s24 =	simm.s32 $0x17;
	v60 =	vmin.f32 v45, v59;
	v61 =	vmax.f32 v43, v58;
	v2 =	vld.idx.msk [tilespmem:v4+s15+$0x0], $0xffff;
	v62 =	vmin.f32 v63, v0  }
.LBB2_12:
0x225: {  	v4 =	vadd.s32 $0x82, v44;
	v5 =	vadd.s32 $0x9C, v44;
	p0 =	sne.s32 s24, $0x1;
	s24 =	sadd.s32 $0xFFFFFFFF, s24;
	v3 =	vmax.f32 v42, v3;
	v42 =	vmovc v56  }
0x226: {  	v6 =	vmax.f32 v60, v61;
	vm0 =	vlt.s32 v4, $0x144F;
	vm1 =	vlt.s32 v5, $0x144F  }
0x227: {  	v7 =	vmin.f32 v60, v61;
	v4 =	vnsel vm0, $0x144F, v4;
	v5 =	vnsel vm1, $0x144F, v5  }
0x228: {  	v11 =	vmax.f32 v45, v59;
	v8 =	vshll.u32 v4, $0x3;
	v9 =	vshll.u32 v5, $0x3  }
0x229: {  	v56 =	vadd.s32 $0xB6, v44;
	v5 =	vand.u32 $0x7F, v5;
	v8 =	vand.u32 $0xFFFFFC00, v8  }
0x22a: {  	v45 =	vmin.f32 v43, v58;
	v4 =	vand.u32 $0x7F, v4;
	v9 =	vand.u32 $0xFFFFFC00, v9  }
0x22b: {  	v2 =	vmul.f32 v2, v38;
	v58 =	vmax.f32 v1, v3;
	v59 =	vmin.f32 v45, v62  }
0x22c: {  	v0 =	vmax.f32 v63, v0;
	v1 =	vmin.f32 v1, v3;
	v5 =	vor.u32 v9, v5  }
0x22d: {  	v9 =	vmin.f32 v11, v58;
	v3 =	vor.u32 v35, v5;
	v5 =	vmax.f32 v1, v0  }
0x22e: {  	v43 =	vmin.f32 v2, v57;
	v0 =	vmin.f32 v1, v0;
	v1 =	vmax.f32 v45, v62  }
0x22f: {  	v45 =	vmax.f32 v2, v57;
	v2 =	vmax.f32 v7, v0;
	v57 =	vmin.f32 v6, v5  }
0x230: {  	v60 =	vmax.f32 v57, v1;
	v61 =	vmin.f32 v9, v2;
	v2 =	vmax.f32 v9, v2  }
0x231: {  	v9 =	vmax.f32 v11, v58;
	v11 =	vmin.f32 v61, v60;
	v58 =	vmax.f32 v61, v60  }
0x232: {  	vm0 =	vlt.s32 v44, $0x144F;
	v9 =	vmax.f32 v54, v9;
	v11 =	vmax.f32 v52, v11  }
0x233: {  	v51 =	vmax.f32 v51, v59;
	v52 =	vnsel vm0, $0x144F, v44;
	v54 =	vmax.f32 v55, v58  }
0x234: {  	v0 =	vmin.f32 v7, v0;
	v7 =	vmax.f32 v51, v54;
	v55 =	vmax.f32 v11, v9  }
0x235: {  	v1 =	vmin.f32 v57, v1;
	v58 =	vshll.u32 v52, $0x3;
	v54 =	vmin.f32 v51, v54  }
0x236: {  	v51 =	vmin.f32 v0, v1;
	v0 =	vmax.f32 v0, v1;
	v1 =	vmin.f32 v11, v9  }
0x237: {  	v5 =	vmax.f32 v6, v5;
	v6 =	vmax.f32 v50, v51;
	v0 =	vmax.f32 v53, v0  }
0x238: {  	v9 =	vadd.s32 $0x4E, v44;
	v11 =	vadd.s32 $0x68, v44;
	v50 =	vmin.f32 v2, v5  }
0x239: {  	v51 =	vadd.s32 $0x1A, v44;
	v53 =	vadd.s32 $0x34, v44;
	v2 =	vmax.f32 v2, v5  }
0x23a: {  	vm0 =	vlt.s32 v51, $0x144F;
	vm1 =	vlt.s32 v53, $0x144F;
	v2 =	vmax.f32 v48, v2  }
0x23b: {  	v5 =	vnsel vm0, $0x144F, v51;
	v48 =	vnsel vm1, $0x144F, v53;
	v53 =	vmax.f32 v0, v2  }
0x23c: {  	v51 =	vshll.u32 v5, $0x3;
	v57 =	vshll.u32 v48, $0x3;
	v59 =	vmax.f32 v7, v53  }
0x23d: {  	v47 =	vmax.f32 v47, v50;
	v5 =	vand.u32 $0x7F, v5;
	v51 =	vand.u32 $0xFFFFFC00, v51  }
0x23e: {  	v50 =	vand.u32 $0xFFFFFC00, v57;
	v57 =	vmax.f32 v6, v47;
	v5 =	vor.u32 v51, v5  }
0x23f: {  	v48 =	vand.u32 $0x7F, v48;
	v60 =	vmax.f32 v57, v55;
	v5 =	vor.u32 v35, v5  }
0x240: {  	vm0 =	vlt.s32 v9, $0x144F;
	v48 =	vor.u32 v50, v48;
	v51 =	vmax.f32 v59, v60  }
0x241: {  	v58 =	vand.u32 $0xFFFFFC00, v58;
	v6 =	vmin.f32 v6, v47;
	v61 =	vor.u32 v35, v48;
	v46 =	vld.idx.msk [tilespmem:v46+s15+$0x0], $0xffff  }
0x242: {  	v0 =	vmin.f32 v0, v2;
	v2 =	vmin.f32 v57, v55;
	v47 =	vmin.f32 v6, v1;
	v49 =	vld.idx.msk [tilespmem:v49+s15+$0x0], $0xffff  }
0x243: {  	vm1 =	vlt.s32 v11, $0x144F;
	v57 =	vmax.f32 v54, v0;
	v0 =	vmin.f32 v54, v0  }
0x244: {  	v62 =	vand.u32 $0x7F, v52;
	v11 =	vnsel vm1, $0x144F, v11;
	v54 =	vmin.f32 v0, v47;
	v5 =	vld.idx.msk [tilespmem:v5+s15+$0x0], $0xffff  }
0x245: {  	v1 =	vmax.f32 v6, v1;
	v50 =	vmin.f32 v59, v60;
	v48 =	vmax.f32 v0, v47  }
0x246: {  	v6 =	vmin.f32 v7, v53;
	v55 =	vmax.f32 v57, v1;
	v47 =	vmin.f32 v57, v1;
	v0 =	vld.idx.msk [tilespmem:v61+s15+$0x0], $0xffff  }
0x247: {  	v53 =	vmax.f32 v6, v2;
	v52 =	vmin.f32 v6, v2;
	v1 =	vmul.f32 v46, v38  }
0x248: {  	v4 =	vor.u32 v8, v4;
	vm1 =	vlt.s32 v56, $0x144F;
	v6 =	vmul.f32 v49, v38  }
0x249: {  	v7 =	vnsel vm0, $0x144F, v9;
	v2 =	vor.u32 v58, v62;
	v58 =	vmin.f32 v39, v1;
	v3 =	vld.idx.msk [tilespmem:v3+s15+$0x0], $0xffff  }
0x24a: {  	v59 =	vmax.f32 v39, v1;
	v57 =	vmul.f32 v5, v38;
	v5 =	vshll.u32 v7, $0x3;
	v8 =	vld.idx.msk [tilespmem:v40+s15+$0x0], $0xffff  }
0x24b: {  	v1 =	vor.u32 v35, v2;
	v60 =	vmin.f32 v45, v59;
	v2 =	vand.u32 $0xFFFFFC00, v5;
	v5 =	vld.idx.msk [tilespmem:v41+s15+$0x0], $0xffff  }
0x24c: {  	v9 =	vnsel vm1, $0x144F, v56;
	v7 =	vand.u32 $0x7F, v7;
	v61 =	vmax.f32 v43, v58  }
0x24d: {  	v39 =	vmul.f32 v0, v38;
	v0 =	vor.u32 v2, v7;
	v2 =	vshll.u32 v11, $0x3  }
0x24e: {  	v7 =	vand.u32 $0x7F, v11;
	v11 =	vand.u32 $0x7F, v9;
	v2 =	vand.u32 $0xFFFFFC00, v2  }
0x24f: {  	v46 =	vor.u32 v35, v0;
	v0 =	vor.u32 v2, v7;
	v7 =	vshll.u32 v9, $0x3  }
.Ltmp4:
0x250: {  	v40 =	vor.u32 v35, v0;
	v56 =	vmul.f32 v3, v38;
	v0 =	vand.u32 $0xFFFFFC00, v7;
	v2 =	vld.idx.msk [tilespmem:v1+s15+$0x0], $0xffff;
	(pc) =	sbr.rel @p0 .LBB2_12-.Ltmp4, $4  }
0x251: {  	v0 =	vor.u32 v0, v11;
	v1 =	vmul.f32 v8, v38;
	v3 =	vmul.f32 v5, v38  }
0x252: {  	v49 =	vor.u32 v35, v4;
	v41 =	vor.u32 v35, v0  }
0x253: {  	v63 =	vmin.f32 v1, v6;
	v1 =	vmax.f32 v1, v6;
	v0 =	vmin.f32 v42, v3  }
0x254: {  	v44 =	vadd.s32 $0xD0, v44;
	v62 =	vmin.f32 v63, v0  }
0x255: {  	v3 =	vmax.f32 v42, v3;
	v4 =	vmax.f32 v60, v61  }
0x256: {  	v5 =	vmin.f32 v60, v61;
	v6 =	vmax.f32 v45, v59;
	v7 =	vmin.f32 v43, v58  }
0x257: {  	v2 =	vmul.f32 v2, v38;
	v0 =	vmax.f32 v63, v0;
	v8 =	vmax.f32 v1, v3  }
0x258: {  	v9 =	vmin.f32 v7, v62;
	v45 =	vmin.f32 v1, v3;
	v58 =	vmax.f32 v7, v62  }
0x259: {  	v3 =	vmax.f32 v45, v0;
	v11 =	vmin.f32 v6, v8;
	v0 =	vmin.f32 v45, v0  }
0x25a: {  	v43 =	vmin.f32 v2, v57;
	v2 =	vmax.f32 v2, v57;
	v6 =	vmax.f32 v6, v8  }
0x25b: {  	v41 =	vld.idx.msk [tilespmem:v41+s15+$0x0], $0xffff;
	v9 =	vmax.f32 v51, v9;
	v59 =	vmax.f32 v5, v0;
	v60 =	vmin.f32 v4, v3  }
0x25c: {  	v6 =	vmax.f32 v54, v6;
	v0 =	vmin.f32 v5, v0;
	v3 =	vmax.f32 v4, v3  }
0x25d: {  	v44 =	vmax.f32 v60, v58;
	v61 =	vmin.f32 v11, v59;
	v7 =	vmax.f32 v11, v59  }
0x25e: {  	v1 =	vmin.f32 v60, v58;
	v11 =	vmin.f32 v61, v44;
	v8 =	vmax.f32 v61, v44  }
0x25f: {  	v42 =	vmin.f32 v0, v1;
	v0 =	vmax.f32 v0, v1;
	v45 =	vmax.f32 v7, v3  }
0x260: {  	v3 =	vmin.f32 v7, v3;
	v61 =	vmul.f32 v41, v38;
	v11 =	vmax.f32 v52, v11  }
0x261: {  	v8 =	vmax.f32 v55, v8;
	v0 =	vmax.f32 v53, v0;
	v1 =	vmax.f32 v48, v45  }
0x262: {  	v4 =	vmax.f32 v50, v42;
	v3 =	vmax.f32 v47, v3;
	v62 =	vmax.f32 v9, v8  }
0x263: {  	v53 =	vld.idx.msk [tilespmem:v49+s15+$0x0], $0xffff;
	v63 =	vmax.f32 v11, v6;
	v8 =	vmin.f32 v9, v8;
	v51 =	vmax.f32 v0, v1  }
0x264: {  	v55 =	vld.idx.msk [tilespmem:v40+s15+$0x0], $0xffff;
	v6 =	vmin.f32 v11, v6;
	v52 =	vmax.f32 v4, v3;
	v3 =	vmin.f32 v4, v3  }
0x265: {  	v9 =	vld.idx.msk [tilespmem:v46+s15+$0x0], $0xffff;
	v0 =	vmin.f32 v0, v1;
	v11 =	vmax.f32 v62, v51;
	v54 =	vmax.f32 v52, v63  }
0x266: {  	v57 =	vmin.f32 v3, v6;
	v58 =	vmin.f32 v8, v0;
	v42 =	vmin.f32 v52, v63  }
0x267: {  	v0 =	vmax.f32 v8, v0;
	v3 =	vmax.f32 v3, v6;
	v5 =	vmin.f32 v62, v51  }
0x268: {  	v4 =	vmax.f32 v11, v54;
	v8 =	vmin.f32 v58, v57;
	v6 =	vmin.f32 v11, v54  }
0x269: {  	v11 =	vmax.f32 v58, v57;
	v7 =	vmax.f32 v0, v3;
	v59 =	vmul.f32 v53, v38  }
0x26a: {  	v0 =	vmin.f32 v0, v3;
	v1 =	vmul.f32 v55, v38;
	v9 =	vmul.f32 v9, v38  }
0x26b: {  	v41 =	vmax.f32 v5, v42;
	v5 =	vmin.f32 v5, v42;
	v53 =	vmin.f32 v56, v61  }
0x26c: {  	v52 =	vmin.f32 v1, v59;
	v1 =	vmax.f32 v1, v59;
	v60 =	vmin.f32 v39, v9  }
0x26d: {  	v9 =	vmax.f32 v39, v9;
	v54 =	vmin.f32 v52, v53;
	v39 =	vmax.f32 v56, v61  }
0x26e: {  	v3 =	vmax.f32 v52, v53;
	v53 =	vmul.f32 v38, v36;
	v62 =	vmin.f32 v2, v9  }
0x26f: {  	v63 =	vmax.f32 v43, v60;
	v2 =	vmax.f32 v2, v9;
	v9 =	vmin.f32 v43, v60  }
0x270: {  	v56 =	vmax.f32 v1, v39;
	v1 =	vmin.f32 v1, v39;
	v55 =	vmax.f32 v62, v63  }
0x271: {  	v44 =	vmin.f32 v62, v63;
	v39 =	vmax.f32 v1, v3;
	v57 =	vmin.f32 v2, v56  }
0x272: {  	v1 =	vmin.f32 v1, v3;
	v58 =	vmax.f32 v9, v54;
	v9 =	vmin.f32 v9, v54  }
0x273: {  	v2 =	vmax.f32 v2, v56;
	v45 =	vmax.f32 v44, v1;
	v59 =	vmin.f32 v55, v39  }
0x274: {  	v2 =	vmax.f32 v8, v2;
	v4 =	vmax.f32 v4, v9;
	v1 =	vmin.f32 v44, v1  }
0x275: {  	v47 =	vmax.f32 v55, v39;
	v60 =	vmax.f32 v59, v58;
	v61 =	vmin.f32 v57, v45  }
0x276: {  	v43 =	vmax.f32 v57, v45;
	v3 =	vmin.f32 v59, v58;
	v62 =	vmin.f32 v61, v60  }
0x277: {  	v63 =	vmax.f32 v61, v60;
	v9 =	vmin.f32 v1, v3;
	v1 =	vmax.f32 v1, v3  }
0x278: {  	v3 =	vmax.f32 v43, v47;
	v5 =	vmax.f32 v5, v62;
	v7 =	vmax.f32 v7, v63  }
0x279: {  	v6 =	vmax.f32 v6, v9;
	v9 =	vmin.f32 v43, v47;
	v1 =	vmax.f32 v41, v1  }
0x27a: {  	v3 =	vmax.f32 v11, v3;
	v8 =	vmax.f32 v4, v7;
	v0 =	vmax.f32 v0, v9  }
0x27b: {  	v54 =	vld [tilespmem:$0x1FF80];
	v9 =	vmax.f32 v5, v2;
	v11 =	vmax.f32 v1, v3;
	v4 =	vmin.f32 v4, v7  }
0x27c: {  	v2 =	vmin.f32 v5, v2;
	v49 =	vmax.f32 v8, v11;
	v8 =	vmin.f32 v8, v11;
	v11 =	vld [tilespmem:$0x1FF90]  }
0x27d: {  	v1 =	vmin.f32 v1, v3;
	v48 =	vmax.f32 v6, v0;
	v0 =	vmin.f32 v6, v0  }
0x27e: {  	v7 =	vmax.f32 v4, v1;
	v1 =	vmin.f32 v4, v1;
	v50 =	vmax.f32 v48, v9  }
0x27f: {  	v52 =	vmin.f32 v48, v9;
	v6 =	vmin.f32 v0, v2;
	v51 =	vmax.f32 v49, v50  }
0x280: {  	v4 =	vmin.f32 v1, v6;
	v1 =	vmax.f32 v1, v6;
	v6 =	vor.u32 v54, v35  }
0x281: {  	v56 =	vld [tilespmem:$0x1FFA0];
	v9 =	vmin.f32 v49, v50;
	v5 =	vmul.f32 v51, v53;
	v11 =	vor.u32 v11, v35  }
0x282: {  	v60 =	vld [tilespmem:$0x1FFB0];
	v9 =	vmul.f32 v9, v53  }
0x283: {  	v61 =	vld [tilespmem:$0x1FFC0];
	v5 =	vadd.f32 v5, v37  }
0x284: {  	v55 =	vmax.f32 v8, v52;
	v3 =	vmin.f32 v8, v52;
	v8 =	vld [tilespmem:$0x1FFD0];
	v58 =	vadd.f32 v9, v37  }
0x285: {  	v0 =	vmax.f32 v0, v2;
	v9 =	vld [tilespmem:$0x1FFE0];
	[tilespmem:v6+s17+$0x0] =	vst.idx.msk $0x1fff, v5  }
0x286: {  	v38 =	vor.u32 v56, v35;
	v57 =	vmax.f32 v7, v0;
	[tilespmem:v11+s17+$0x0] =	vst.idx.msk $0x1fff, v58;
	v11 =	vld [tilespmem:$0x1FFF0]  }
0x287: {  	v0 =	vmin.f32 v7, v0;
	v36 =	vmul.f32 v55, v53;
	v6 =	vor.u32 v60, v35  }
0x288: {  	v7 =	vor.u32 v61, v35;
	v3 =	vmul.f32 v3, v53;
	v62 =	vmul.f32 v57, v53  }
0x289: {  	v0 =	vmul.f32 v0, v53;
	v59 =	vadd.f32 v36, v37;
	v8 =	vor.u32 v8, v35  }
0x28a: {  	s23 =	sadd.s32 $0x1, s23;
	v1 =	vmul.f32 v1, v53;
	v3 =	vadd.f32 v3, v37;
	v9 =	vor.u32 v9, v35  }
0x28b: {  	p0 =	sne.s32 s23, $0x8;
	v5 =	vadd.f32 v62, v37;
	[tilespmem:v38+s17+$0x0] =	vst.idx.msk $0x1fff, v59;
	v11 =	vor.u32 v11, v35  }
.Ltmp5:
0x28c: {  	v2 =	vmul.f32 v4, v53;
	v0 =	vadd.f32 v0, v37;
	[tilespmem:v6+s17+$0x0] =	vst.idx.msk $0x1fff, v3;
	(pc) =	sbr.rel @p0 .LBB2_9-.Ltmp5, $4  }
0x28d: {  	v1 =	vadd.f32 v1, v37;
	[tilespmem:v7+s17+$0x0] =	vst.idx.msk $0x1fff, v5  }
0x28e: {  	v63 =	vadd.f32 v2, v37;
	[tilespmem:v8+s17+$0x0] =	vst.idx.msk $0x1fff, v0  }
0x28f: {  	[tilespmem:v9+s17+$0x0] =	vst.idx.msk $0x1fff, v1  }
0x290: {  	[tilespmem:v11+s17+$0x0] =	vst.idx.msk $0x1fff, v63  }
0x291: {  	s21 =	sadd.s32 $0x1, s21  }
0x292: {  	s22 =	sshll.u32 s22, $0x5;
	p0 =	sne.s32 s21, $0x8  }
.Ltmp6:
0x293: {  	s22 =	sadd.s32 s6, s22;
	(pc) =	sbr.rel @p0 .LBB2_2-.Ltmp6, $4  }
0x294: {  	[hbm4b:s22+s4] =	stream.linear.scatter [tilespmem:s17], [sflag:$0x3], $0x800, $0x38;
	[tilespmem:$0x15100] =	vst v63  }
0x295: {  	_ =	swait.ge [sflag:s18], $0x800  }
0x296: {  	[sflag:s18] =	ssyncset.done $0x0  }
0x297: {  	[sflag:s18] =	ssyncadd.s32 $0xFFFFF800  }
0x298: {  	s20 =	sadd.s32 $0x1, s20  }
0x299: {  	p0 =	sne.s32 s20, s10  }
.Ltmp7:
0x29a: {  	_ = 	snop;
	(pc) =	sbr.rel @p0 .LBB2_1-.Ltmp7, $1  }
0x29b: {  	_ =	sdelay $0x3  }
0x29c: {  	_ =	sfence.sel $0x180000  }
0x29d: {  	[bflag:$0x0] =	sbarrier.arrive $0xFFFF  }
0x29e: {  	p0 =	sne.s32 s3, $0x0;
	_ =	strace $0x90000047  }
0x29f: {  	s0 =	sadd.s32 @!p0 $0x100000, s1;
	[bflag:$0x2] =	sbarrier.arrive $0xFFFF  }
0x2a0: {  	[sflag:s0] =	ssyncadd.tile.s32 @!p0 $0x1;
	_ =	shalt  }
.Lfunc_end2:
_tile_overlayer_lowered:
.L_overlay_start_2:
0x2a1: {  	(tag) =	ssettag $0x2  }
0x2a2: {  	s0 =	rddreg [dreg:$0x0];
	s2 =	stileid.u32  }
0x2a3: {  	s1 =	rddreg [dreg:$0x1];
	p0 =	sne.s32 s2, $0x0  }
0x2a4: {  	s3 =	rddreg [dreg:$0x2];
	[bflag:$0x3] =	sbarrier.arrive $0xFFFF;
	s2 =	simm.s32 @!p0 $0x1C04  }
0x2a5: {  	[timem:s3], [sflag:s2] =	dma.local @!p0 [hbm:s0], s1  }
0x2a6: {  	s0 =	simm.s32 @!p0 $0x4  }
0x2a7: {  	_ =	swait.ge @!p0 [sflag:s0], s1  }
0x2a8: {  	s1 =	ssub.s32 @!p0 $0x0, s1;
	[sflag:s0] =	ssyncset.done @!p0 $0x0  }
0x2a9: {  	[sflag:s0] =	ssyncadd.s32 @!p0 s1  }
0x2aa: {  	[bflag:$0x3] =	sbarrier.arrive $0xFFFF  }
0x2ab: {  	_ =	shalt  }

</sc_bundles>
